<compile_context>
chip_gen: v7x
topology: tpu7x:2x2x1
jax: 0.10.2.dev20260603
libtpu: 0.0.44.dev20260713+nightly
codegen_flags: <defaults>
</compile_context>

<pallas_src>
import dataclasses
import functools

import jax
import jax.numpy as jnp
from jax import lax
from jax.experimental import pallas as pl
from jax.experimental.pallas import tpu as pltpu
from jax.experimental.pallas import tpu_sc as plsc

F32 = jnp.float32
I32 = jnp.int32

NC, NS, L = 2, 16, 16
NW = NC * NS


def _sc_compiler_params():
    cp = pltpu.CompilerParams()
    if "needs_layout_passes" in pltpu.CompilerParams.__dataclass_fields__:
        cp = dataclasses.replace(cp, needs_layout_passes=False)
    return cp


def _k1_linear(x, W_lin):
    B, N, CIN = x.shape
    O = W_lin.shape[0]
    RB = 2000

    def body(x_ref, w_ref, z_ref):
        w = w_ref[...]
        for h in range(2):
            for j in range(2):
                z_ref[h, :, j * O:(j + 1) * O] = lax.dot_general(
                    x_ref[h * 2 + j], w, (((1,), (1,)), ((), ())),
                    precision=lax.Precision.HIGHEST,
                    preferred_element_type=F32)

    return pl.pallas_call(
        body,
        grid=(N // RB,),
        in_specs=[
            pl.BlockSpec((B, RB, CIN), lambda i: (0, i, 0)),
            pl.BlockSpec((O, CIN), lambda i: (0, 0)),
        ],
        out_specs=pl.BlockSpec((2, RB, 2 * O), lambda i: (0, i, 0)),
        out_shape=jax.ShapeDtypeStruct((2, N, 2 * O), F32),
    )(x, W_lin)


def _k2_spmm_gather(z, rows, cols, vals, idxc, idxx, xflat, Np):
    F = z.shape[2]
    K = 128
    Ep = rows.shape[0]
    EPS = Ep // NS
    NCHUNK = EPS // K
    RPT = Np // NS
    ZB = 128
    Mp = idxc.shape[0]
    Xp = idxx.shape[0]
    CK = 80
    SPT = Mp // NS
    XK = 128
    XPT = Xp // NW
    mesh = plsc.VectorSubcoreMesh(core_axis_name="c", subcore_axis_name="s")

    @functools.partial(
        pl.kernel,
        out_type=(jax.ShapeDtypeStruct((2, Mp, F), F32),
                  jax.ShapeDtypeStruct((Xp, F), F32)),
        mesh=mesh,
        scratch_types=[
            pltpu.VMEM_SHARED((Np, F), F32),
            pltpu.VMEM((K, F), F32),
            pltpu.VMEM((K,), I32),
            pltpu.VMEM((K,), I32),
            pltpu.VMEM((K,), F32),
            pltpu.VMEM((CK,), I32),
            pltpu.VMEM((XK,), I32),
        ],
        compiler_params=_sc_compiler_params(),
    )
    def k(z_hbm, rows_hbm, cols_hbm, vals_hbm, ic_hbm, ix_hbm, x_hbm,
          yc_hbm, xc_hbm,
          acc, gbuf, rowv, colv, valv, icv, ixv):
        cid = lax.axis_index("c")
        sid = lax.axis_index("s")
        wid = sid * NC + cid

        zero = jnp.zeros((L,), F32)

        @pl.loop(0, ZB)
        def _(i):
            for j in range(F // L):
                gbuf[i, pl.ds(j * L, L)] = zero

        for j in range(RPT // ZB):
            zoff = pl.multiple_of(sid * RPT + j * ZB, 8)
            pltpu.sync_copy(gbuf, acc.at[pl.ds(zoff, ZB)])
        plsc.subcore_barrier()

        zsrc = z_hbm.at[cid]

        @pl.loop(0, NCHUNK)
        def _(c):
            base = pl.multiple_of(sid * EPS + c * K, 8)
            pltpu.sync_copy(rows_hbm.at[pl.ds(base, K)], rowv)
            pltpu.sync_copy(cols_hbm.at[pl.ds(base, K)], colv)
            pltpu.sync_copy(vals_hbm.at[pl.ds(base, K)], valv)
            pltpu.sync_copy(zsrc.at[colv], gbuf)

            @pl.loop(0, K)
            def _(i):
                bval = plsc.load_gather(valv, [jnp.full((L,), i, I32)])
                for j in range(F // L):
                    sl = pl.ds(j * L, L)
                    gbuf[i, sl] = gbuf[i, sl] * bval

            pltpu.sync_copy(gbuf, acc.at[rowv], add=True)

        plsc.subcore_barrier()

        ycdst = yc_hbm.at[cid]

        cbuf = gbuf.at[pl.ds(0, CK)]

        @pl.loop(0, SPT // CK)
        def _(j):
            base = pl.multiple_of(sid * SPT + j * CK, 8)
            pltpu.sync_copy(ic_hbm.at[pl.ds(base, CK)], icv)
            pltpu.sync_copy(acc.at[icv], cbuf)
            pltpu.sync_copy(cbuf, ycdst.at[pl.ds(base, CK)])

        @pl.loop(0, XPT // XK)
        def _(j):
            base = pl.multiple_of(wid * XPT + j * XK, 8)
            pltpu.sync_copy(ix_hbm.at[pl.ds(base, XK)], ixv)
            pltpu.sync_copy(x_hbm.at[ixv], gbuf)
            pltpu.sync_copy(gbuf, xc_hbm.at[pl.ds(base, XK)])

    return k(z, rows, cols, vals, idxc, idxx, xflat)


def _k3_final(yc, xc, W_eye, b_lin, b_eye, B, M, Mp):
    O = W_eye.shape[0]

    def body(yc_ref, xc_ref, w_ref, bl_ref, be_ref, o_ref):
        w = w_ref[...]
        bl = bl_ref[...][None, :]
        be = be_ref[...][None, :]
        for b in range(B):
            linpart = yc_ref[b // 2, pl.ds(0, M), pl.ds((b % 2) * O, O)]
            o_ref[b, :, 0:O] = jnp.maximum(linpart + bl, 0.0)
            xb = xc_ref[pl.ds(b * Mp, M), :]
            eye = lax.dot_general(
                xb, w, (((1,), (1,)), ((), ())),
                precision=lax.Precision.HIGHEST,
                preferred_element_type=F32)
            o_ref[b, :, O:2 * O] = jnp.maximum(eye + be, 0.0)

    return pl.pallas_call(
        body,
        out_shape=jax.ShapeDtypeStruct((B, M, 2 * O), F32),
    )(yc, xc, W_eye, b_lin, b_eye)


def kernel(x, W_lin, b_lin, W_eye, b_eye, adj_vals, edge_index, centroids):
    B, N, CIN = x.shape
    E = adj_vals.shape[0]
    M = centroids.shape[0]

    EDGE_Q = NS * 128
    Ep = -(-E // EDGE_Q) * EDGE_Q
    rows = jnp.concatenate([edge_index[0], jnp.zeros((Ep - E,), I32)])
    cols = jnp.concatenate([edge_index[1], jnp.zeros((Ep - E,), I32)])
    vals = jnp.concatenate([adj_vals, jnp.zeros((Ep - E,), F32)])

    CEN_Q = NS * 80
    Mp = -(-M // CEN_Q) * CEN_Q
    idxc = jnp.concatenate([centroids, jnp.zeros((Mp - M,), I32)])
    idxx = (jnp.arange(B, dtype=I32)[:, None] * N + idxc[None, :]).reshape(-1)

    NODE_Q = NS * 8
    Np = -(-N // NODE_Q) * NODE_Q

    z = _k1_linear(x, W_lin)
    yc, xc = _k2_spmm_gather(z, rows, cols, vals, idxc, idxx,
                             x.reshape(B * N, CIN), Np)
    return _k3_final(yc, xc, W_eye, b_lin, b_eye, B, M, Mp)

# --- scband reference (transcript-rebuilt; emitter-appended) ---
"""Pipeline reference for scband-gcnlayer-30416958390405 (READ-ONLY COPY).

The authoritative reference and input builder live on the scoring server;
editing this copy changes nothing except your own understanding.
"""

import jax, jax.numpy as jnp
import numpy as np

B, N, CIN, CH, E, M = 4, 10000, 128, 128, 320000, 5000


def setup_inputs(seed: int = 0) -> dict:
    key = jax.random.key(seed)
    ks = jax.random.split(key, 8)
    x = jax.random.normal(ks[0], (B, N, CIN), dtype=jnp.float32)
    # Conv1d(kernel_size=1) weights == linear over channel dim: [out_ch, in_ch]
    W_lin = jax.random.normal(ks[1], (CH // 2, CIN), dtype=jnp.float32) * 0.05
    b_lin = jnp.zeros((CH // 2,), dtype=jnp.float32)
    W_eye = jax.random.normal(ks[2], (CH // 2, CIN), dtype=jnp.float32) * 0.05
    b_eye = jnp.zeros((CH // 2,), dtype=jnp.float32)
    # sparse adjacency in COO form: rows=edge_index[0], cols=edge_index[1]
    edge_index = jax.random.randint(ks[3], (2, E), 0, N, dtype=jnp.int32)
    adj_vals = jax.random.uniform(ks[4], (E,), dtype=jnp.float32)
    centroids = jax.random.randint(ks[5], (M,), 0, N, dtype=jnp.int32)
    return {
        'x': x,
        'W_lin': W_lin,
        'b_lin': b_lin,
        'W_eye': W_eye,
        'b_eye': b_eye,
        'adj_vals': adj_vals,
        'edge_index': edge_index,
        'centroids': centroids,
    }


def _spmm(adj_vals, edge_index, dense):
    # y = A @ dense, A sparse NxN in COO. dense: [N, F]
    rows = edge_index[0]
    cols = edge_index[1]
    gathered = adj_vals[:, None] * jnp.take(dense, cols, axis=0)
    return jnp.zeros((N, dense.shape[1]), dtype=dense.dtype).at[rows].add(gathered)


def reference(x, W_lin, b_lin, W_eye, b_eye, adj_vals, edge_index, centroids):
    # x: [B, N, CIN] -> permute -> [B, CIN, N]
    xp = jnp.transpose(x, (0, 2, 1))
    # eye branch: Conv1d(k=1) == channel-wise linear
    eye_x = jnp.einsum('oc,bcn->bon', W_eye, xp) + b_eye[None, :, None]
    # adj mul: view (B*CIN, N), SparseMM(adj)(x.t()).t()
    b, c, n = xp.shape
    xf = xp.reshape(-1, n)            # [B*CIN, N]
    y = _spmm(adj_vals, edge_index, xf.T)  # [N, B*CIN]
    xm = y.T.reshape(b, c, n)          # [B, CIN, N]
    lin = jnp.einsum('oc,bcn->bon', W_lin, xm) + b_lin[None, :, None]
    h = jax.nn.relu(jnp.concatenate([lin, eye_x], axis=1))  # [B, CH, N]
    h = jnp.take(h, centroids, axis=2)  # [B, CH, M]
    return jnp.transpose(h, (0, 2, 1))  # [B, M, CH]

if __name__ == "__main__":
    import jax
    _d = setup_inputs()
    print(jax.jit(kernel)(*tuple(_d.values())))

</pallas_src>

<mosaic_0001>
#map = affine_map<(d0, d1) -> (0, 0, 0)>
#map1 = affine_map<(d0, d1) -> (0)>
#map2 = affine_map<(d0, d1) -> (0, 0)>
module attributes {stable_mosaic.version = 14 : i64} {
  func.func @k(%arg0: i32, %arg1: i32, %arg2: memref<2x10000x128xf32, #tpu.memory_space<hbm>>, %arg3: memref<321536xi32, #tpu.memory_space<hbm>>, %arg4: memref<321536xi32, #tpu.memory_space<hbm>>, %arg5: memref<321536xf32, #tpu.memory_space<hbm>>, %arg6: memref<5120xi32, #tpu.memory_space<hbm>>, %arg7: memref<20480xi32, #tpu.memory_space<hbm>>, %arg8: memref<40000x128xf32, #tpu.memory_space<hbm>>, %arg9: memref<2x5120x128xf32, #tpu.memory_space<hbm>>, %arg10: memref<20480x128xf32, #tpu.memory_space<hbm>>, %arg11: memref<10112x128xf32, #tpu.memory_space<vmem_shared>>, %arg12: memref<128x128xf32, #tpu.memory_space<vmem>>, %arg13: memref<128xi32, #tpu.memory_space<vmem>>, %arg14: memref<128xi32, #tpu.memory_space<vmem>>, %arg15: memref<128xf32, #tpu.memory_space<vmem>>, %arg16: memref<80xi32, #tpu.memory_space<vmem>>, %arg17: memref<128xi32, #tpu.memory_space<vmem>>) attributes {dimension_semantics = [#tpu.dimension_semantics<core_parallel>, #tpu.dimension_semantics<subcore_parallel>], iteration_bounds = array<i64: 2, 16>, scalar_prefetch = 0 : i64, scratch_operands = 7 : i64, tpu.core_type = #tpu.core_type<sc_vector_subcore>, window_params = [{transform_indices = #map}, {transform_indices = #map1}, {transform_indices = #map1}, {transform_indices = #map1}, {transform_indices = #map1}, {transform_indices = #map1}, {transform_indices = #map2}, {transform_indices = #map}, {transform_indices = #map2}]} {
    %mul3A = arith.constant 2 : i32
    %mul3A_0 = arith.muli %arg1, %mul3A : i32
    %add3A = arith.addi %mul3A_0, %arg0 : i32
    %broadcast_in_dim3A = arith.constant 0.000000e+00 : f32
    %broadcast_in_dim3A_1 = vector.broadcast %broadcast_in_dim3A : f32 to vector<16xf32>
    %scan3A = arith.constant 0 : i32
    %scan3A_2 = arith.constant 128 : i32
    %scan3A_3 = arith.addi %scan3A, %scan3A_2 : i32
    %scan3A_4 = arith.constant 1 : i32
    scf.for %scan3A_41 = %scan3A to %scan3A_3 step %scan3A_4  : i32 {
      %mul3A_42 = arith.constant 1 : i32
      %mul3A_43 = arith.muli %scan3A_41, %mul3A_42 : i32
      %add3A_44 = arith.constant 0 : i32
      %add3A_45 = arith.addi %add3A_44, %mul3A_43 : i32
      %swap3A = arith.index_cast %add3A_45 : i32 to index
      %swap3A_46 = arith.constant 0 : index
      %swap3A_47 = tpu.vector_load %arg12[%swap3A, %swap3A_46] {strides = array<i32>} : memref<128x128xf32, #tpu.memory_space<vmem>>, vector<16xf32>,
      tpu.vector_store %arg12[%swap3A, %swap3A_46], %broadcast_in_dim3A_1 {strides = array<i32>} : memref<128x128xf32, #tpu.memory_space<vmem>>, vector<16xf32>,
      %swap3A_48 = arith.index_cast %add3A_45 : i32 to index
      %swap3A_49 = arith.constant 16 : index
      %swap3A_50 = tpu.vector_load %arg12[%swap3A_48, %swap3A_49] {strides = array<i32>} : memref<128x128xf32, #tpu.memory_space<vmem>>, vector<16xf32>,
      tpu.vector_store %arg12[%swap3A_48, %swap3A_49], %broadcast_in_dim3A_1 {strides = array<i32>} : memref<128x128xf32, #tpu.memory_space<vmem>>, vector<16xf32>,
      %swap3A_51 = arith.index_cast %add3A_45 : i32 to index
      %swap3A_52 = arith.constant 32 : index
      %swap3A_53 = tpu.vector_load %arg12[%swap3A_51, %swap3A_52] {strides = array<i32>} : memref<128x128xf32, #tpu.memory_space<vmem>>, vector<16xf32>,
      tpu.vector_store %arg12[%swap3A_51, %swap3A_52], %broadcast_in_dim3A_1 {strides = array<i32>} : memref<128x128xf32, #tpu.memory_space<vmem>>, vector<16xf32>,
      %swap3A_54 = arith.index_cast %add3A_45 : i32 to index
      %swap3A_55 = arith.constant 48 : index
      %swap3A_56 = tpu.vector_load %arg12[%swap3A_54, %swap3A_55] {strides = array<i32>} : memref<128x128xf32, #tpu.memory_space<vmem>>, vector<16xf32>,
      tpu.vector_store %arg12[%swap3A_54, %swap3A_55], %broadcast_in_dim3A_1 {strides = array<i32>} : memref<128x128xf32, #tpu.memory_space<vmem>>, vector<16xf32>,
      %swap3A_57 = arith.index_cast %add3A_45 : i32 to index
      %swap3A_58 = arith.constant 64 : index
      %swap3A_59 = tpu.vector_load %arg12[%swap3A_57, %swap3A_58] {strides = array<i32>} : memref<128x128xf32, #tpu.memory_space<vmem>>, vector<16xf32>,
      tpu.vector_store %arg12[%swap3A_57, %swap3A_58], %broadcast_in_dim3A_1 {strides = array<i32>} : memref<128x128xf32, #tpu.memory_space<vmem>>, vector<16xf32>,
      %swap3A_60 = arith.index_cast %add3A_45 : i32 to index
      %swap3A_61 = arith.constant 80 : index
      %swap3A_62 = tpu.vector_load %arg12[%swap3A_60, %swap3A_61] {strides = array<i32>} : memref<128x128xf32, #tpu.memory_space<vmem>>, vector<16xf32>,
      tpu.vector_store %arg12[%swap3A_60, %swap3A_61], %broadcast_in_dim3A_1 {strides = array<i32>} : memref<128x128xf32, #tpu.memory_space<vmem>>, vector<16xf32>,
      %swap3A_63 = arith.index_cast %add3A_45 : i32 to index
      %swap3A_64 = arith.constant 96 : index
      %swap3A_65 = tpu.vector_load %arg12[%swap3A_63, %swap3A_64] {strides = array<i32>} : memref<128x128xf32, #tpu.memory_space<vmem>>, vector<16xf32>,
      tpu.vector_store %arg12[%swap3A_63, %swap3A_64], %broadcast_in_dim3A_1 {strides = array<i32>} : memref<128x128xf32, #tpu.memory_space<vmem>>, vector<16xf32>,
      %swap3A_66 = arith.index_cast %add3A_45 : i32 to index
      %swap3A_67 = arith.constant 112 : index
      %swap3A_68 = tpu.vector_load %arg12[%swap3A_66, %swap3A_67] {strides = array<i32>} : memref<128x128xf32, #tpu.memory_space<vmem>>, vector<16xf32>,
      tpu.vector_store %arg12[%swap3A_66, %swap3A_67], %broadcast_in_dim3A_1 {strides = array<i32>} : memref<128x128xf32, #tpu.memory_space<vmem>>, vector<16xf32>,
    }
    %scan3A_5 = arith.constant 128 : i32
    %mul3A_6 = arith.constant 632 : i32
    %mul3A_7 = arith.muli %arg1, %mul3A_6 : i32
    %add3A_8 = arith.constant 0 : i32
    %add3A_9 = arith.addi %mul3A_7, %add3A_8 : i32
    %multiple_of3A = tpu.assume_multiple %add3A_9, 8 : i32
    "tpu.region"() ({
      %run_scoped3A = tpu.sem_alloc : memref<!tpu.dma_semaphore, #tpu.memory_space<semaphore_mem>>
      %dma_start3A = arith.constant 0 : i32
      %dma_start3A_41 = tpu.memref_slice %arg11[%multiple_of3A, %dma_start3A] : memref<10112x128xf32, #tpu.memory_space<vmem_shared>> -> memref<128x128xf32, #tpu.memory_space<vmem_shared>>
      %dma_start3A_42 = arith.constant 0 : i32
      %dma_start3A_43 = tpu.memref_slice %arg11[%multiple_of3A, %dma_start3A_42] : memref<10112x128xf32, #tpu.memory_space<vmem_shared>> -> memref<128x128xf32, #tpu.memory_space<vmem_shared>>
      tpu.enqueue_dma source(%arg12 : memref<128x128xf32, #tpu.memory_space<vmem>>) target(%dma_start3A_43 : memref<128x128xf32, #tpu.memory_space<vmem_shared>>) target_semaphore(%run_scoped3A : memref<!tpu.dma_semaphore, #tpu.memory_space<semaphore_mem>>)
      %dma_wait3A = arith.constant 0 : i32
      %dma_wait3A_44 = tpu.memref_slice %arg11[%multiple_of3A, %dma_wait3A] : memref<10112x128xf32, #tpu.memory_space<vmem_shared>> -> memref<128x128xf32, #tpu.memory_space<vmem_shared>>
      %dma_wait3A_45 = arith.constant 0 : i32
      %dma_wait3A_46 = tpu.memref_slice %arg11[%multiple_of3A, %dma_wait3A_45] : memref<10112x128xf32, #tpu.memory_space<vmem_shared>> -> memref<128x128xf32, #tpu.memory_space<vmem_shared>>
      tpu.wait_dma2 semaphore(%run_scoped3A : memref<!tpu.dma_semaphore, #tpu.memory_space<semaphore_mem>>) src(%arg12 : memref<128x128xf32, #tpu.memory_space<vmem>>) dst(%dma_wait3A_46 : memref<128x128xf32, #tpu.memory_space<vmem_shared>>)
      tpu.yield
    }) : () -> ()
    %mul3A_10 = arith.constant 632 : i32
    %mul3A_11 = arith.muli %arg1, %mul3A_10 : i32
    %add3A_12 = arith.constant 128 : i32
    %add3A_13 = arith.addi %mul3A_11, %add3A_12 : i32
    %multiple_of3A_14 = tpu.assume_multiple %add3A_13, 8 : i32
    "tpu.region"() ({
      %run_scoped3A = tpu.sem_alloc : memref<!tpu.dma_semaphore, #tpu.memory_space<semaphore_mem>>
      %dma_start3A = arith.constant 0 : i32
      %dma_start3A_41 = tpu.memref_slice %arg11[%multiple_of3A_14, %dma_start3A] : memref<10112x128xf32, #tpu.memory_space<vmem_shared>> -> memref<128x128xf32, #tpu.memory_space<vmem_shared>>
      %dma_start3A_42 = arith.constant 0 : i32
      %dma_start3A_43 = tpu.memref_slice %arg11[%multiple_of3A_14, %dma_start3A_42] : memref<10112x128xf32, #tpu.memory_space<vmem_shared>> -> memref<128x128xf32, #tpu.memory_space<vmem_shared>>
      tpu.enqueue_dma source(%arg12 : memref<128x128xf32, #tpu.memory_space<vmem>>) target(%dma_start3A_43 : memref<128x128xf32, #tpu.memory_space<vmem_shared>>) target_semaphore(%run_scoped3A : memref<!tpu.dma_semaphore, #tpu.memory_space<semaphore_mem>>)
      %dma_wait3A = arith.constant 0 : i32
      %dma_wait3A_44 = tpu.memref_slice %arg11[%multiple_of3A_14, %dma_wait3A] : memref<10112x128xf32, #tpu.memory_space<vmem_shared>> -> memref<128x128xf32, #tpu.memory_space<vmem_shared>>
      %dma_wait3A_45 = arith.constant 0 : i32
      %dma_wait3A_46 = tpu.memref_slice %arg11[%multiple_of3A_14, %dma_wait3A_45] : memref<10112x128xf32, #tpu.memory_space<vmem_shared>> -> memref<128x128xf32, #tpu.memory_space<vmem_shared>>
      tpu.wait_dma2 semaphore(%run_scoped3A : memref<!tpu.dma_semaphore, #tpu.memory_space<semaphore_mem>>) src(%arg12 : memref<128x128xf32, #tpu.memory_space<vmem>>) dst(%dma_wait3A_46 : memref<128x128xf32, #tpu.memory_space<vmem_shared>>)
      tpu.yield
    }) : () -> ()
    %mul3A_15 = arith.constant 632 : i32
    %mul3A_16 = arith.muli %arg1, %mul3A_15 : i32
    %add3A_17 = arith.constant 256 : i32
    %add3A_18 = arith.addi %mul3A_16, %add3A_17 : i32
    %multiple_of3A_19 = tpu.assume_multiple %add3A_18, 8 : i32
    "tpu.region"() ({
      %run_scoped3A = tpu.sem_alloc : memref<!tpu.dma_semaphore, #tpu.memory_space<semaphore_mem>>
      %dma_start3A = arith.constant 0 : i32
      %dma_start3A_41 = tpu.memref_slice %arg11[%multiple_of3A_19, %dma_start3A] : memref<10112x128xf32, #tpu.memory_space<vmem_shared>> -> memref<128x128xf32, #tpu.memory_space<vmem_shared>>
      %dma_start3A_42 = arith.constant 0 : i32
      %dma_start3A_43 = tpu.memref_slice %arg11[%multiple_of3A_19, %dma_start3A_42] : memref<10112x128xf32, #tpu.memory_space<vmem_shared>> -> memref<128x128xf32, #tpu.memory_space<vmem_shared>>
      tpu.enqueue_dma source(%arg12 : memref<128x128xf32, #tpu.memory_space<vmem>>) target(%dma_start3A_43 : memref<128x128xf32, #tpu.memory_space<vmem_shared>>) target_semaphore(%run_scoped3A : memref<!tpu.dma_semaphore, #tpu.memory_space<semaphore_mem>>)
      %dma_wait3A = arith.constant 0 : i32
      %dma_wait3A_44 = tpu.memref_slice %arg11[%multiple_of3A_19, %dma_wait3A] : memref<10112x128xf32, #tpu.memory_space<vmem_shared>> -> memref<128x128xf32, #tpu.memory_space<vmem_shared>>
      %dma_wait3A_45 = arith.constant 0 : i32
      %dma_wait3A_46 = tpu.memref_slice %arg11[%multiple_of3A_19, %dma_wait3A_45] : memref<10112x128xf32, #tpu.memory_space<vmem_shared>> -> memref<128x128xf32, #tpu.memory_space<vmem_shared>>
      tpu.wait_dma2 semaphore(%run_scoped3A : memref<!tpu.dma_semaphore, #tpu.memory_space<semaphore_mem>>) src(%arg12 : memref<128x128xf32, #tpu.memory_space<vmem>>) dst(%dma_wait3A_46 : memref<128x128xf32, #tpu.memory_space<vmem_shared>>)
      tpu.yield
    }) : () -> ()
    %mul3A_20 = arith.constant 632 : i32
    %mul3A_21 = arith.muli %arg1, %mul3A_20 : i32
    %add3A_22 = arith.constant 384 : i32
    %add3A_23 = arith.addi %mul3A_21, %add3A_22 : i32
    %multiple_of3A_24 = tpu.assume_multiple %add3A_23, 8 : i32
    "tpu.region"() ({
      %run_scoped3A = tpu.sem_alloc : memref<!tpu.dma_semaphore, #tpu.memory_space<semaphore_mem>>
      %dma_start3A = arith.constant 0 : i32
      %dma_start3A_41 = tpu.memref_slice %arg11[%multiple_of3A_24, %dma_start3A] : memref<10112x128xf32, #tpu.memory_space<vmem_shared>> -> memref<128x128xf32, #tpu.memory_space<vmem_shared>>
      %dma_start3A_42 = arith.constant 0 : i32
      %dma_start3A_43 = tpu.memref_slice %arg11[%multiple_of3A_24, %dma_start3A_42] : memref<10112x128xf32, #tpu.memory_space<vmem_shared>> -> memref<128x128xf32, #tpu.memory_space<vmem_shared>>
      tpu.enqueue_dma source(%arg12 : memref<128x128xf32, #tpu.memory_space<vmem>>) target(%dma_start3A_43 : memref<128x128xf32, #tpu.memory_space<vmem_shared>>) target_semaphore(%run_scoped3A : memref<!tpu.dma_semaphore, #tpu.memory_space<semaphore_mem>>)
      %dma_wait3A = arith.constant 0 : i32
      %dma_wait3A_44 = tpu.memref_slice %arg11[%multiple_of3A_24, %dma_wait3A] : memref<10112x128xf32, #tpu.memory_space<vmem_shared>> -> memref<128x128xf32, #tpu.memory_space<vmem_shared>>
      %dma_wait3A_45 = arith.constant 0 : i32
      %dma_wait3A_46 = tpu.memref_slice %arg11[%multiple_of3A_24, %dma_wait3A_45] : memref<10112x128xf32, #tpu.memory_space<vmem_shared>> -> memref<128x128xf32, #tpu.memory_space<vmem_shared>>
      tpu.wait_dma2 semaphore(%run_scoped3A : memref<!tpu.dma_semaphore, #tpu.memory_space<semaphore_mem>>) src(%arg12 : memref<128x128xf32, #tpu.memory_space<vmem>>) dst(%dma_wait3A_46 : memref<128x128xf32, #tpu.memory_space<vmem_shared>>)
      tpu.yield
    }) : () -> ()
    %barrier3A = arith.constant 0 : index
    tpu.barrier barrier_id(%barrier3A)
    %scan3A_25 = arith.constant 0 : i32
    %scan3A_26 = arith.constant 157 : i32
    %scan3A_27 = arith.addi %scan3A_25, %scan3A_26 : i32
    %scan3A_28 = arith.constant 1 : i32
    scf.for %scan3A_41 = %scan3A_25 to %scan3A_27 step %scan3A_28  : i32 {
      %mul3A_42 = arith.constant 1 : i32
      %mul3A_43 = arith.muli %scan3A_41, %mul3A_42 : i32
      %add3A_44 = arith.constant 0 : i32
      %add3A_45 = arith.addi %add3A_44, %mul3A_43 : i32
      %mul3A_46 = arith.constant 20096 : i32
      %mul3A_47 = arith.muli %arg1, %mul3A_46 : i32
      %mul3A_48 = arith.constant 128 : i32
      %mul3A_49 = arith.muli %add3A_45, %mul3A_48 : i32
      %add3A_50 = arith.addi %mul3A_47, %mul3A_49 : i32
      %multiple_of3A_51 = tpu.assume_multiple %add3A_50, 8 : i32
      "tpu.region"() ({
        %run_scoped3A = tpu.sem_alloc : memref<!tpu.dma_semaphore, #tpu.memory_space<semaphore_mem>>
        %dma_start3A = tpu.memref_slice %arg3[%multiple_of3A_51] : memref<321536xi32, #tpu.memory_space<hbm>> -> memref<128xi32, #tpu.memory_space<hbm>>
        %dma_start3A_57 = tpu.memref_slice %arg3[%multiple_of3A_51] : memref<321536xi32, #tpu.memory_space<hbm>> -> memref<128xi32, #tpu.memory_space<hbm>>
        tpu.enqueue_dma source(%dma_start3A_57 : memref<128xi32, #tpu.memory_space<hbm>>) target(%arg13 : memref<128xi32, #tpu.memory_space<vmem>>) target_semaphore(%run_scoped3A : memref<!tpu.dma_semaphore, #tpu.memory_space<semaphore_mem>>)
        %dma_wait3A = tpu.memref_slice %arg3[%multiple_of3A_51] : memref<321536xi32, #tpu.memory_space<hbm>> -> memref<128xi32, #tpu.memory_space<hbm>>
        %dma_wait3A_58 = tpu.memref_slice %arg3[%multiple_of3A_51] : memref<321536xi32, #tpu.memory_space<hbm>> -> memref<128xi32, #tpu.memory_space<hbm>>
        tpu.wait_dma2 semaphore(%run_scoped3A : memref<!tpu.dma_semaphore, #tpu.memory_space<semaphore_mem>>) src(%dma_wait3A_58 : memref<128xi32, #tpu.memory_space<hbm>>) dst(%arg13 : memref<128xi32, #tpu.memory_space<vmem>>)
        tpu.yield
      }) : () -> ()
      "tpu.region"() ({
        %run_scoped3A = tpu.sem_alloc : memref<!tpu.dma_semaphore, #tpu.memory_space<semaphore_mem>>
        %dma_start3A = tpu.memref_slice %arg4[%multiple_of3A_51] : memref<321536xi32, #tpu.memory_space<hbm>> -> memref<128xi32, #tpu.memory_space<hbm>>
        %dma_start3A_57 = tpu.memref_slice %arg4[%multiple_of3A_51] : memref<321536xi32, #tpu.memory_space<hbm>> -> memref<128xi32, #tpu.memory_space<hbm>>
        tpu.enqueue_dma source(%dma_start3A_57 : memref<128xi32, #tpu.memory_space<hbm>>) target(%arg14 : memref<128xi32, #tpu.memory_space<vmem>>) target_semaphore(%run_scoped3A : memref<!tpu.dma_semaphore, #tpu.memory_space<semaphore_mem>>)
        %dma_wait3A = tpu.memref_slice %arg4[%multiple_of3A_51] : memref<321536xi32, #tpu.memory_space<hbm>> -> memref<128xi32, #tpu.memory_space<hbm>>
        %dma_wait3A_58 = tpu.memref_slice %arg4[%multiple_of3A_51] : memref<321536xi32, #tpu.memory_space<hbm>> -> memref<128xi32, #tpu.memory_space<hbm>>
        tpu.wait_dma2 semaphore(%run_scoped3A : memref<!tpu.dma_semaphore, #tpu.memory_space<semaphore_mem>>) src(%dma_wait3A_58 : memref<128xi32, #tpu.memory_space<hbm>>) dst(%arg14 : memref<128xi32, #tpu.memory_space<vmem>>)
        tpu.yield
      }) : () -> ()
      "tpu.region"() ({
        %run_scoped3A = tpu.sem_alloc : memref<!tpu.dma_semaphore, #tpu.memory_space<semaphore_mem>>
        %dma_start3A = tpu.memref_slice %arg5[%multiple_of3A_51] : memref<321536xf32, #tpu.memory_space<hbm>> -> memref<128xf32, #tpu.memory_space<hbm>>
        %dma_start3A_57 = tpu.memref_slice %arg5[%multiple_of3A_51] : memref<321536xf32, #tpu.memory_space<hbm>> -> memref<128xf32, #tpu.memory_space<hbm>>
        tpu.enqueue_dma source(%dma_start3A_57 : memref<128xf32, #tpu.memory_space<hbm>>) target(%arg15 : memref<128xf32, #tpu.memory_space<vmem>>) target_semaphore(%run_scoped3A : memref<!tpu.dma_semaphore, #tpu.memory_space<semaphore_mem>>)
        %dma_wait3A = tpu.memref_slice %arg5[%multiple_of3A_51] : memref<321536xf32, #tpu.memory_space<hbm>> -> memref<128xf32, #tpu.memory_space<hbm>>
        %dma_wait3A_58 = tpu.memref_slice %arg5[%multiple_of3A_51] : memref<321536xf32, #tpu.memory_space<hbm>> -> memref<128xf32, #tpu.memory_space<hbm>>
        tpu.wait_dma2 semaphore(%run_scoped3A : memref<!tpu.dma_semaphore, #tpu.memory_space<semaphore_mem>>) src(%dma_wait3A_58 : memref<128xf32, #tpu.memory_space<hbm>>) dst(%arg15 : memref<128xf32, #tpu.memory_space<vmem>>)
        tpu.yield
      }) : () -> ()
      "tpu.region"() ({
        %run_scoped3A = tpu.sem_alloc : memref<!tpu.dma_semaphore, #tpu.memory_space<semaphore_mem>>
        %dma_start3A = arith.constant 0 : i32
        %dma_start3A_57 = arith.constant 0 : i32
        %dma_start3A_58 = tpu.memref_slice %arg2[%arg0, %dma_start3A, %dma_start3A_57] : memref<2x10000x128xf32, #tpu.memory_space<hbm>> -> memref<1x10000x128xf32, #tpu.memory_space<hbm>>
        %dma_start3A_59 = tpu.memref_squeeze %dma_start3A_58 : memref<1x10000x128xf32, #tpu.memory_space<hbm>> -> memref<10000x128xf32, #tpu.memory_space<hbm>>
        %dma_start3A_60 = arith.constant 0 : i32
        %dma_start3A_61 = arith.constant 0 : i32
        %dma_start3A_62 = tpu.memref_slice %dma_start3A_59[%dma_start3A_60, %dma_start3A_61] : memref<10000x128xf32, #tpu.memory_space<hbm>> -> memref<10000x128xf32, #tpu.memory_space<hbm>>
        tpu.enqueue_indirect_dma source(%dma_start3A_62 : memref<10000x128xf32, #tpu.memory_space<hbm>>) target(%arg12 : memref<128x128xf32, #tpu.memory_space<vmem>>) offsets(%arg14 : memref<128xi32, #tpu.memory_space<vmem>>) semaphore(%run_scoped3A : memref<!tpu.dma_semaphore, #tpu.memory_space<semaphore_mem>>)
        %dma_wait3A = arith.constant 0 : i32
        %dma_wait3A_63 = arith.constant 0 : i32
        %dma_wait3A_64 = tpu.memref_slice %arg2[%arg0, %dma_wait3A, %dma_wait3A_63] : memref<2x10000x128xf32, #tpu.memory_space<hbm>> -> memref<1x10000x128xf32, #tpu.memory_space<hbm>>
        %dma_wait3A_65 = tpu.memref_squeeze %dma_wait3A_64 : memref<1x10000x128xf32, #tpu.memory_space<hbm>> -> memref<10000x128xf32, #tpu.memory_space<hbm>>
        %dma_wait3A_66 = arith.constant 0 : i32
        %dma_wait3A_67 = arith.constant 0 : i32
        %dma_wait3A_68 = tpu.memref_slice %dma_wait3A_65[%dma_wait3A_66, %dma_wait3A_67] : memref<10000x128xf32, #tpu.memory_space<hbm>> -> memref<10000x128xf32, #tpu.memory_space<hbm>>
        tpu.wait_indirect_dma semaphore(%run_scoped3A : memref<!tpu.dma_semaphore, #tpu.memory_space<semaphore_mem>>) src(%dma_wait3A_68 : memref<10000x128xf32, #tpu.memory_space<hbm>>) dst(%arg12 : memref<128x128xf32, #tpu.memory_space<vmem>>)
        tpu.yield
      }) : () -> ()
      %scan3A_52 = arith.constant 0 : i32
      %scan3A_53 = arith.constant 128 : i32
      %scan3A_54 = arith.addi %scan3A_52, %scan3A_53 : i32
      %scan3A_55 = arith.constant 1 : i32
      scf.for %scan3A_57 = %scan3A_52 to %scan3A_54 step %scan3A_55  : i32 {
        %mul3A_58 = arith.constant 1 : i32
        %mul3A_59 = arith.muli %scan3A_57, %mul3A_58 : i32
        %add3A_60 = arith.constant 0 : i32
        %add3A_61 = arith.addi %add3A_60, %mul3A_59 : i32
        %broadcast_in_dim3A_62 = vector.broadcast %add3A_61 : i32 to vector<16xi32>
        %gather3A = tpu.vector_load_idx %arg15[%broadcast_in_dim3A_62] : memref<128xf32, #tpu.memory_space<vmem>>[vector<16xi32>], vector<16xf32>,
        %get3A = arith.index_cast %add3A_61 : i32 to index
        %get3A_63 = arith.constant 0 : index
        %get3A_64 = tpu.vector_load %arg12[%get3A, %get3A_63] {strides = array<i32>} : memref<128x128xf32, #tpu.memory_space<vmem>>, vector<16xf32>,
        %mul3A_65 = arith.mulf %get3A_64, %gather3A : vector<16xf32>
        %swap3A = arith.index_cast %add3A_61 : i32 to index
        %swap3A_66 = arith.constant 0 : index
        %swap3A_67 = tpu.vector_load %arg12[%swap3A, %swap3A_66] {strides = array<i32>} : memref<128x128xf32, #tpu.memory_space<vmem>>, vector<16xf32>,
        tpu.vector_store %arg12[%swap3A, %swap3A_66], %mul3A_65 {strides = array<i32>} : memref<128x128xf32, #tpu.memory_space<vmem>>, vector<16xf32>,
        %get3A_68 = arith.index_cast %add3A_61 : i32 to index
        %get3A_69 = arith.constant 16 : index
        %get3A_70 = tpu.vector_load %arg12[%get3A_68, %get3A_69] {strides = array<i32>} : memref<128x128xf32, #tpu.memory_space<vmem>>, vector<16xf32>,
        %mul3A_71 = arith.mulf %get3A_70, %gather3A : vector<16xf32>
        %swap3A_72 = arith.index_cast %add3A_61 : i32 to index
        %swap3A_73 = arith.constant 16 : index
        %swap3A_74 = tpu.vector_load %arg12[%swap3A_72, %swap3A_73] {strides = array<i32>} : memref<128x128xf32, #tpu.memory_space<vmem>>, vector<16xf32>,
        tpu.vector_store %arg12[%swap3A_72, %swap3A_73], %mul3A_71 {strides = array<i32>} : memref<128x128xf32, #tpu.memory_space<vmem>>, vector<16xf32>,
        %get3A_75 = arith.index_cast %add3A_61 : i32 to index
        %get3A_76 = arith.constant 32 : index
        %get3A_77 = tpu.vector_load %arg12[%get3A_75, %get3A_76] {strides = array<i32>} : memref<128x128xf32, #tpu.memory_space<vmem>>, vector<16xf32>,
        %mul3A_78 = arith.mulf %get3A_77, %gather3A : vector<16xf32>
        %swap3A_79 = arith.index_cast %add3A_61 : i32 to index
        %swap3A_80 = arith.constant 32 : index
        %swap3A_81 = tpu.vector_load %arg12[%swap3A_79, %swap3A_80] {strides = array<i32>} : memref<128x128xf32, #tpu.memory_space<vmem>>, vector<16xf32>,
        tpu.vector_store %arg12[%swap3A_79, %swap3A_80], %mul3A_78 {strides = array<i32>} : memref<128x128xf32, #tpu.memory_space<vmem>>, vector<16xf32>,
        %get3A_82 = arith.index_cast %add3A_61 : i32 to index
        %get3A_83 = arith.constant 48 : index
        %get3A_84 = tpu.vector_load %arg12[%get3A_82, %get3A_83] {strides = array<i32>} : memref<128x128xf32, #tpu.memory_space<vmem>>, vector<16xf32>,
        %mul3A_85 = arith.mulf %get3A_84, %gather3A : vector<16xf32>
        %swap3A_86 = arith.index_cast %add3A_61 : i32 to index
        %swap3A_87 = arith.constant 48 : index
        %swap3A_88 = tpu.vector_load %arg12[%swap3A_86, %swap3A_87] {strides = array<i32>} : memref<128x128xf32, #tpu.memory_space<vmem>>, vector<16xf32>,
        tpu.vector_store %arg12[%swap3A_86, %swap3A_87], %mul3A_85 {strides = array<i32>} : memref<128x128xf32, #tpu.memory_space<vmem>>, vector<16xf32>,
        %get3A_89 = arith.index_cast %add3A_61 : i32 to index
        %get3A_90 = arith.constant 64 : index
        %get3A_91 = tpu.vector_load %arg12[%get3A_89, %get3A_90] {strides = array<i32>} : memref<128x128xf32, #tpu.memory_space<vmem>>, vector<16xf32>,
        %mul3A_92 = arith.mulf %get3A_91, %gather3A : vector<16xf32>
        %swap3A_93 = arith.index_cast %add3A_61 : i32 to index
        %swap3A_94 = arith.constant 64 : index
        %swap3A_95 = tpu.vector_load %arg12[%swap3A_93, %swap3A_94] {strides = array<i32>} : memref<128x128xf32, #tpu.memory_space<vmem>>, vector<16xf32>,
        tpu.vector_store %arg12[%swap3A_93, %swap3A_94], %mul3A_92 {strides = array<i32>} : memref<128x128xf32, #tpu.memory_space<vmem>>, vector<16xf32>,
        %get3A_96 = arith.index_cast %add3A_61 : i32 to index
        %get3A_97 = arith.constant 80 : index
        %get3A_98 = tpu.vector_load %arg12[%get3A_96, %get3A_97] {strides = array<i32>} : memref<128x128xf32, #tpu.memory_space<vmem>>, vector<16xf32>,
        %mul3A_99 = arith.mulf %get3A_98, %gather3A : vector<16xf32>
        %swap3A_100 = arith.index_cast %add3A_61 : i32 to index
        %swap3A_101 = arith.constant 80 : index
        %swap3A_102 = tpu.vector_load %arg12[%swap3A_100, %swap3A_101] {strides = array<i32>} : memref<128x128xf32, #tpu.memory_space<vmem>>, vector<16xf32>,
        tpu.vector_store %arg12[%swap3A_100, %swap3A_101], %mul3A_99 {strides = array<i32>} : memref<128x128xf32, #tpu.memory_space<vmem>>, vector<16xf32>,
        %get3A_103 = arith.index_cast %add3A_61 : i32 to index
        %get3A_104 = arith.constant 96 : index
        %get3A_105 = tpu.vector_load %arg12[%get3A_103, %get3A_104] {strides = array<i32>} : memref<128x128xf32, #tpu.memory_space<vmem>>, vector<16xf32>,
        %mul3A_106 = arith.mulf %get3A_105, %gather3A : vector<16xf32>
        %swap3A_107 = arith.index_cast %add3A_61 : i32 to index
        %swap3A_108 = arith.constant 96 : index
        %swap3A_109 = tpu.vector_load %arg12[%swap3A_107, %swap3A_108] {strides = array<i32>} : memref<128x128xf32, #tpu.memory_space<vmem>>, vector<16xf32>,
        tpu.vector_store %arg12[%swap3A_107, %swap3A_108], %mul3A_106 {strides = array<i32>} : memref<128x128xf32, #tpu.memory_space<vmem>>, vector<16xf32>,
        %get3A_110 = arith.index_cast %add3A_61 : i32 to index
        %get3A_111 = arith.constant 112 : index
        %get3A_112 = tpu.vector_load %arg12[%get3A_110, %get3A_111] {strides = array<i32>} : memref<128x128xf32, #tpu.memory_space<vmem>>, vector<16xf32>,
        %mul3A_113 = arith.mulf %get3A_112, %gather3A : vector<16xf32>
        %swap3A_114 = arith.index_cast %add3A_61 : i32 to index
        %swap3A_115 = arith.constant 112 : index
        %swap3A_116 = tpu.vector_load %arg12[%swap3A_114, %swap3A_115] {strides = array<i32>} : memref<128x128xf32, #tpu.memory_space<vmem>>, vector<16xf32>,
        tpu.vector_store %arg12[%swap3A_114, %swap3A_115], %mul3A_113 {strides = array<i32>} : memref<128x128xf32, #tpu.memory_space<vmem>>, vector<16xf32>,
      }
      %scan3A_56 = arith.constant 128 : i32
      "tpu.region"() ({
        %run_scoped3A = tpu.sem_alloc : memref<!tpu.dma_semaphore, #tpu.memory_space<semaphore_mem>>
        %dma_start3A = arith.constant 0 : i32
        %dma_start3A_57 = arith.constant 0 : i32
        %dma_start3A_58 = tpu.memref_slice %arg11[%dma_start3A, %dma_start3A_57] : memref<10112x128xf32, #tpu.memory_space<vmem_shared>> -> memref<10112x128xf32, #tpu.memory_space<vmem_shared>>
        tpu.enqueue_indirect_dma source(%arg12 : memref<128x128xf32, #tpu.memory_space<vmem>>) target(%dma_start3A_58 : memref<10112x128xf32, #tpu.memory_space<vmem_shared>>) offsets(%arg13 : memref<128xi32, #tpu.memory_space<vmem>>) semaphore(%run_scoped3A : memref<!tpu.dma_semaphore, #tpu.memory_space<semaphore_mem>>) {add = true}
        %dma_wait3A = arith.constant 0 : i32
        %dma_wait3A_59 = arith.constant 0 : i32
        %dma_wait3A_60 = tpu.memref_slice %arg11[%dma_wait3A, %dma_wait3A_59] : memref<10112x128xf32, #tpu.memory_space<vmem_shared>> -> memref<10112x128xf32, #tpu.memory_space<vmem_shared>>
        tpu.wait_indirect_dma semaphore(%run_scoped3A : memref<!tpu.dma_semaphore, #tpu.memory_space<semaphore_mem>>) src(%arg12 : memref<128x128xf32, #tpu.memory_space<vmem>>) dst(%dma_wait3A_60 : memref<10112x128xf32, #tpu.memory_space<vmem_shared>>)
        tpu.yield
      }) : () -> ()
    }
    %scan3A_29 = arith.constant 157 : i32
    %barrier3A_30 = arith.constant 0 : index
    tpu.barrier barrier_id(%barrier3A_30)
    %scan3A_31 = arith.constant 0 : i32
    %scan3A_32 = arith.constant 4 : i32
    %scan3A_33 = arith.addi %scan3A_31, %scan3A_32 : i32
    %scan3A_34 = arith.constant 1 : i32
    scf.for %scan3A_41 = %scan3A_31 to %scan3A_33 step %scan3A_34  : i32 {
      %mul3A_42 = arith.constant 1 : i32
      %mul3A_43 = arith.muli %scan3A_41, %mul3A_42 : i32
      %add3A_44 = arith.constant 0 : i32
      %add3A_45 = arith.addi %add3A_44, %mul3A_43 : i32
      %mul3A_46 = arith.constant 320 : i32
      %mul3A_47 = arith.muli %arg1, %mul3A_46 : i32
      %mul3A_48 = arith.constant 80 : i32
      %mul3A_49 = arith.muli %add3A_45, %mul3A_48 : i32
      %add3A_50 = arith.addi %mul3A_47, %mul3A_49 : i32
      %multiple_of3A_51 = tpu.assume_multiple %add3A_50, 8 : i32
      "tpu.region"() ({
        %run_scoped3A = tpu.sem_alloc : memref<!tpu.dma_semaphore, #tpu.memory_space<semaphore_mem>>
        %dma_start3A = tpu.memref_slice %arg6[%multiple_of3A_51] : memref<5120xi32, #tpu.memory_space<hbm>> -> memref<80xi32, #tpu.memory_space<hbm>>
        %dma_start3A_52 = tpu.memref_slice %arg6[%multiple_of3A_51] : memref<5120xi32, #tpu.memory_space<hbm>> -> memref<80xi32, #tpu.memory_space<hbm>>
        tpu.enqueue_dma source(%dma_start3A_52 : memref<80xi32, #tpu.memory_space<hbm>>) target(%arg16 : memref<80xi32, #tpu.memory_space<vmem>>) target_semaphore(%run_scoped3A : memref<!tpu.dma_semaphore, #tpu.memory_space<semaphore_mem>>)
        %dma_wait3A = tpu.memref_slice %arg6[%multiple_of3A_51] : memref<5120xi32, #tpu.memory_space<hbm>> -> memref<80xi32, #tpu.memory_space<hbm>>
        %dma_wait3A_53 = tpu.memref_slice %arg6[%multiple_of3A_51] : memref<5120xi32, #tpu.memory_space<hbm>> -> memref<80xi32, #tpu.memory_space<hbm>>
        tpu.wait_dma2 semaphore(%run_scoped3A : memref<!tpu.dma_semaphore, #tpu.memory_space<semaphore_mem>>) src(%dma_wait3A_53 : memref<80xi32, #tpu.memory_space<hbm>>) dst(%arg16 : memref<80xi32, #tpu.memory_space<vmem>>)
        tpu.yield
      }) : () -> ()
      "tpu.region"() ({
        %run_scoped3A = tpu.sem_alloc : memref<!tpu.dma_semaphore, #tpu.memory_space<semaphore_mem>>
        %dma_start3A = arith.constant 0 : i32
        %dma_start3A_52 = arith.constant 0 : i32
        %dma_start3A_53 = tpu.memref_slice %arg12[%dma_start3A, %dma_start3A_52] : memref<128x128xf32, #tpu.memory_space<vmem>> -> memref<80x128xf32, #tpu.memory_space<vmem>>
        %dma_start3A_54 = arith.constant 0 : i32
        %dma_start3A_55 = arith.constant 0 : i32
        %dma_start3A_56 = tpu.memref_slice %arg11[%dma_start3A_54, %dma_start3A_55] : memref<10112x128xf32, #tpu.memory_space<vmem_shared>> -> memref<10112x128xf32, #tpu.memory_space<vmem_shared>>
        tpu.enqueue_indirect_dma source(%dma_start3A_56 : memref<10112x128xf32, #tpu.memory_space<vmem_shared>>) target(%dma_start3A_53 : memref<80x128xf32, #tpu.memory_space<vmem>>) offsets(%arg16 : memref<80xi32, #tpu.memory_space<vmem>>) semaphore(%run_scoped3A : memref<!tpu.dma_semaphore, #tpu.memory_space<semaphore_mem>>)
        %dma_wait3A = arith.constant 0 : i32
        %dma_wait3A_57 = arith.constant 0 : i32
        %dma_wait3A_58 = tpu.memref_slice %arg12[%dma_wait3A, %dma_wait3A_57] : memref<128x128xf32, #tpu.memory_space<vmem>> -> memref<80x128xf32, #tpu.memory_space<vmem>>
        %dma_wait3A_59 = arith.constant 0 : i32
        %dma_wait3A_60 = arith.constant 0 : i32
        %dma_wait3A_61 = tpu.memref_slice %arg11[%dma_wait3A_59, %dma_wait3A_60] : memref<10112x128xf32, #tpu.memory_space<vmem_shared>> -> memref<10112x128xf32, #tpu.memory_space<vmem_shared>>
        tpu.wait_indirect_dma semaphore(%run_scoped3A : memref<!tpu.dma_semaphore, #tpu.memory_space<semaphore_mem>>) src(%dma_wait3A_61 : memref<10112x128xf32, #tpu.memory_space<vmem_shared>>) dst(%dma_wait3A_58 : memref<80x128xf32, #tpu.memory_space<vmem>>)
        tpu.yield
      }) : () -> ()
      "tpu.region"() ({
        %run_scoped3A = tpu.sem_alloc : memref<!tpu.dma_semaphore, #tpu.memory_space<semaphore_mem>>
        %dma_start3A = arith.constant 0 : i32
        %dma_start3A_52 = arith.constant 0 : i32
        %dma_start3A_53 = tpu.memref_slice %arg12[%dma_start3A, %dma_start3A_52] : memref<128x128xf32, #tpu.memory_space<vmem>> -> memref<80x128xf32, #tpu.memory_space<vmem>>
        %dma_start3A_54 = arith.constant 0 : i32
        %dma_start3A_55 = arith.constant 0 : i32
        %dma_start3A_56 = tpu.memref_slice %arg9[%arg0, %dma_start3A_54, %dma_start3A_55] : memref<2x5120x128xf32, #tpu.memory_space<hbm>> -> memref<1x5120x128xf32, #tpu.memory_space<hbm>>
        %dma_start3A_57 = tpu.memref_squeeze %dma_start3A_56 : memref<1x5120x128xf32, #tpu.memory_space<hbm>> -> memref<5120x128xf32, #tpu.memory_space<hbm>>
        %dma_start3A_58 = arith.constant 0 : i32
        %dma_start3A_59 = tpu.memref_slice %dma_start3A_57[%multiple_of3A_51, %dma_start3A_58] : memref<5120x128xf32, #tpu.memory_space<hbm>> -> memref<80x128xf32, #tpu.memory_space<hbm>>
        %dma_start3A_60 = arith.constant 0 : i32
        %dma_start3A_61 = arith.constant 0 : i32
        %dma_start3A_62 = tpu.memref_slice %arg9[%arg0, %dma_start3A_60, %dma_start3A_61] : memref<2x5120x128xf32, #tpu.memory_space<hbm>> -> memref<1x5120x128xf32, #tpu.memory_space<hbm>>
        %dma_start3A_63 = tpu.memref_squeeze %dma_start3A_62 : memref<1x5120x128xf32, #tpu.memory_space<hbm>> -> memref<5120x128xf32, #tpu.memory_space<hbm>>
        %dma_start3A_64 = arith.constant 0 : i32
        %dma_start3A_65 = tpu.memref_slice %dma_start3A_63[%multiple_of3A_51, %dma_start3A_64] : memref<5120x128xf32, #tpu.memory_space<hbm>> -> memref<80x128xf32, #tpu.memory_space<hbm>>
        %dma_start3A_66 = arith.constant 0 : i32
        %dma_start3A_67 = arith.constant 0 : i32
        %dma_start3A_68 = tpu.memref_slice %arg12[%dma_start3A_66, %dma_start3A_67] : memref<128x128xf32, #tpu.memory_space<vmem>> -> memref<80x128xf32, #tpu.memory_space<vmem>>
        tpu.enqueue_dma source(%dma_start3A_68 : memref<80x128xf32, #tpu.memory_space<vmem>>) target(%dma_start3A_65 : memref<80x128xf32, #tpu.memory_space<hbm>>) target_semaphore(%run_scoped3A : memref<!tpu.dma_semaphore, #tpu.memory_space<semaphore_mem>>)
        %dma_wait3A = arith.constant 0 : i32
        %dma_wait3A_69 = arith.constant 0 : i32
        %dma_wait3A_70 = tpu.memref_slice %arg12[%dma_wait3A, %dma_wait3A_69] : memref<128x128xf32, #tpu.memory_space<vmem>> -> memref<80x128xf32, #tpu.memory_space<vmem>>
        %dma_wait3A_71 = arith.constant 0 : i32
        %dma_wait3A_72 = arith.constant 0 : i32
        %dma_wait3A_73 = tpu.memref_slice %arg9[%arg0, %dma_wait3A_71, %dma_wait3A_72] : memref<2x5120x128xf32, #tpu.memory_space<hbm>> -> memref<1x5120x128xf32, #tpu.memory_space<hbm>>
        %dma_wait3A_74 = tpu.memref_squeeze %dma_wait3A_73 : memref<1x5120x128xf32, #tpu.memory_space<hbm>> -> memref<5120x128xf32, #tpu.memory_space<hbm>>
        %dma_wait3A_75 = arith.constant 0 : i32
        %dma_wait3A_76 = tpu.memref_slice %dma_wait3A_74[%multiple_of3A_51, %dma_wait3A_75] : memref<5120x128xf32, #tpu.memory_space<hbm>> -> memref<80x128xf32, #tpu.memory_space<hbm>>
        %dma_wait3A_77 = arith.constant 0 : i32
        %dma_wait3A_78 = arith.constant 0 : i32
        %dma_wait3A_79 = tpu.memref_slice %arg9[%arg0, %dma_wait3A_77, %dma_wait3A_78] : memref<2x5120x128xf32, #tpu.memory_space<hbm>> -> memref<1x5120x128xf32, #tpu.memory_space<hbm>>
        %dma_wait3A_80 = tpu.memref_squeeze %dma_wait3A_79 : memref<1x5120x128xf32, #tpu.memory_space<hbm>> -> memref<5120x128xf32, #tpu.memory_space<hbm>>
        %dma_wait3A_81 = arith.constant 0 : i32
        %dma_wait3A_82 = tpu.memref_slice %dma_wait3A_80[%multiple_of3A_51, %dma_wait3A_81] : memref<5120x128xf32, #tpu.memory_space<hbm>> -> memref<80x128xf32, #tpu.memory_space<hbm>>
        %dma_wait3A_83 = arith.constant 0 : i32
        %dma_wait3A_84 = arith.constant 0 : i32
        %dma_wait3A_85 = tpu.memref_slice %arg12[%dma_wait3A_83, %dma_wait3A_84] : memref<128x128xf32, #tpu.memory_space<vmem>> -> memref<80x128xf32, #tpu.memory_space<vmem>>
        tpu.wait_dma2 semaphore(%run_scoped3A : memref<!tpu.dma_semaphore, #tpu.memory_space<semaphore_mem>>) src(%dma_wait3A_85 : memref<80x128xf32, #tpu.memory_space<vmem>>) dst(%dma_wait3A_82 : memref<80x128xf32, #tpu.memory_space<hbm>>)
        tpu.yield
      }) : () -> ()
    }
    %scan3A_35 = arith.constant 4 : i32
    %scan3A_36 = arith.constant 0 : i32
    %scan3A_37 = arith.constant 5 : i32
    %scan3A_38 = arith.addi %scan3A_36, %scan3A_37 : i32
    %scan3A_39 = arith.constant 1 : i32
    scf.for %scan3A_41 = %scan3A_36 to %scan3A_38 step %scan3A_39  : i32 {
      %mul3A_42 = arith.constant 1 : i32
      %mul3A_43 = arith.muli %scan3A_41, %mul3A_42 : i32
      %add3A_44 = arith.constant 0 : i32
      %add3A_45 = arith.addi %add3A_44, %mul3A_43 : i32
      %mul3A_46 = arith.constant 640 : i32
      %mul3A_47 = arith.muli %add3A, %mul3A_46 : i32
      %mul3A_48 = arith.constant 128 : i32
      %mul3A_49 = arith.muli %add3A_45, %mul3A_48 : i32
      %add3A_50 = arith.addi %mul3A_47, %mul3A_49 : i32
      %multiple_of3A_51 = tpu.assume_multiple %add3A_50, 8 : i32
      "tpu.region"() ({
        %run_scoped3A = tpu.sem_alloc : memref<!tpu.dma_semaphore, #tpu.memory_space<semaphore_mem>>
        %dma_start3A = tpu.memref_slice %arg7[%multiple_of3A_51] : memref<20480xi32, #tpu.memory_space<hbm>> -> memref<128xi32, #tpu.memory_space<hbm>>
        %dma_start3A_52 = tpu.memref_slice %arg7[%multiple_of3A_51] : memref<20480xi32, #tpu.memory_space<hbm>> -> memref<128xi32, #tpu.memory_space<hbm>>
        tpu.enqueue_dma source(%dma_start3A_52 : memref<128xi32, #tpu.memory_space<hbm>>) target(%arg17 : memref<128xi32, #tpu.memory_space<vmem>>) target_semaphore(%run_scoped3A : memref<!tpu.dma_semaphore, #tpu.memory_space<semaphore_mem>>)
        %dma_wait3A = tpu.memref_slice %arg7[%multiple_of3A_51] : memref<20480xi32, #tpu.memory_space<hbm>> -> memref<128xi32, #tpu.memory_space<hbm>>
        %dma_wait3A_53 = tpu.memref_slice %arg7[%multiple_of3A_51] : memref<20480xi32, #tpu.memory_space<hbm>> -> memref<128xi32, #tpu.memory_space<hbm>>
        tpu.wait_dma2 semaphore(%run_scoped3A : memref<!tpu.dma_semaphore, #tpu.memory_space<semaphore_mem>>) src(%dma_wait3A_53 : memref<128xi32, #tpu.memory_space<hbm>>) dst(%arg17 : memref<128xi32, #tpu.memory_space<vmem>>)
        tpu.yield
      }) : () -> ()
      "tpu.region"() ({
        %run_scoped3A = tpu.sem_alloc : memref<!tpu.dma_semaphore, #tpu.memory_space<semaphore_mem>>
        %dma_start3A = arith.constant 0 : i32
        %dma_start3A_52 = arith.constant 0 : i32
        %dma_start3A_53 = tpu.memref_slice %arg8[%dma_start3A, %dma_start3A_52] : memref<40000x128xf32, #tpu.memory_space<hbm>> -> memref<40000x128xf32, #tpu.memory_space<hbm>>
        tpu.enqueue_indirect_dma source(%dma_start3A_53 : memref<40000x128xf32, #tpu.memory_space<hbm>>) target(%arg12 : memref<128x128xf32, #tpu.memory_space<vmem>>) offsets(%arg17 : memref<128xi32, #tpu.memory_space<vmem>>) semaphore(%run_scoped3A : memref<!tpu.dma_semaphore, #tpu.memory_space<semaphore_mem>>)
        %dma_wait3A = arith.constant 0 : i32
        %dma_wait3A_54 = arith.constant 0 : i32
        %dma_wait3A_55 = tpu.memref_slice %arg8[%dma_wait3A, %dma_wait3A_54] : memref<40000x128xf32, #tpu.memory_space<hbm>> -> memref<40000x128xf32, #tpu.memory_space<hbm>>
        tpu.wait_indirect_dma semaphore(%run_scoped3A : memref<!tpu.dma_semaphore, #tpu.memory_space<semaphore_mem>>) src(%dma_wait3A_55 : memref<40000x128xf32, #tpu.memory_space<hbm>>) dst(%arg12 : memref<128x128xf32, #tpu.memory_space<vmem>>)
        tpu.yield
      }) : () -> ()
      "tpu.region"() ({
        %run_scoped3A = tpu.sem_alloc : memref<!tpu.dma_semaphore, #tpu.memory_space<semaphore_mem>>
        %dma_start3A = arith.constant 0 : i32
        %dma_start3A_52 = tpu.memref_slice %arg10[%multiple_of3A_51, %dma_start3A] : memref<20480x128xf32, #tpu.memory_space<hbm>> -> memref<128x128xf32, #tpu.memory_space<hbm>>
        %dma_start3A_53 = arith.constant 0 : i32
        %dma_start3A_54 = tpu.memref_slice %arg10[%multiple_of3A_51, %dma_start3A_53] : memref<20480x128xf32, #tpu.memory_space<hbm>> -> memref<128x128xf32, #tpu.memory_space<hbm>>
        tpu.enqueue_dma source(%arg12 : memref<128x128xf32, #tpu.memory_space<vmem>>) target(%dma_start3A_54 : memref<128x128xf32, #tpu.memory_space<hbm>>) target_semaphore(%run_scoped3A : memref<!tpu.dma_semaphore, #tpu.memory_space<semaphore_mem>>)
        %dma_wait3A = arith.constant 0 : i32
        %dma_wait3A_55 = tpu.memref_slice %arg10[%multiple_of3A_51, %dma_wait3A] : memref<20480x128xf32, #tpu.memory_space<hbm>> -> memref<128x128xf32, #tpu.memory_space<hbm>>
        %dma_wait3A_56 = arith.constant 0 : i32
        %dma_wait3A_57 = tpu.memref_slice %arg10[%multiple_of3A_51, %dma_wait3A_56] : memref<20480x128xf32, #tpu.memory_space<hbm>> -> memref<128x128xf32, #tpu.memory_space<hbm>>
        tpu.wait_dma2 semaphore(%run_scoped3A : memref<!tpu.dma_semaphore, #tpu.memory_space<semaphore_mem>>) src(%arg12 : memref<128x128xf32, #tpu.memory_space<vmem>>) dst(%dma_wait3A_57 : memref<128x128xf32, #tpu.memory_space<hbm>>)
        tpu.yield
      }) : () -> ()
    }
    %scan3A_40 = arith.constant 5 : i32
    return
  }
}

module attributes {stable_mosaic.version = 14 : i64} {
  func.func @body(%arg0: i32, %arg1: memref<4x2000x128xf32, #tpu.memory_space<vmem>>, %arg2: memref<64x128xf32, #tpu.memory_space<vmem>>, %arg3: memref<2x2000x128xf32, #tpu.memory_space<vmem>>) attributes {dimension_semantics = [#tpu.dimension_semantics<arbitrary>], iteration_bounds = array<i64: 5>, scalar_prefetch = 0 : i64, scratch_operands = 0 : i64, tpu.core_type = #tpu.core_type<tc>, window_params = [{transform_indices = @transform_0, window_bounds = array<i64: 4, 2000, 128>}, {pipeline_mode = #tpu.pipeline_mode<synchronous>, transform_indices = @transform_1, window_bounds = array<i64: 64, 128>}, {transform_indices = @transform_2, window_bounds = array<i64: 2, 2000, 128>}]} {
    %get3A = arith.constant 0 : index
    %get3A_0 = arith.constant 0 : index
    %get3A_1 = vector.load %arg2[%get3A, %get3A_0] : memref<64x128xf32, #tpu.memory_space<vmem>>, vector<64x128xf32>
    %get3A_2 = arith.constant 0 : index
    %get3A_3 = arith.constant 0 : index
    %get3A_4 = arith.constant 0 : index
    %get3A_5 = vector.load %arg1[%get3A_2, %get3A_3, %get3A_4] : memref<4x2000x128xf32, #tpu.memory_space<vmem>>, vector<1x2000x128xf32>
    %get3A_6 = vector.shape_cast %get3A_5 : vector<1x2000x128xf32> to vector<2000x128xf32>
    %dot_general3A = arith.constant dense<0.000000e+00> : vector<2000x64xf32>
    %dot_general3A_7 = tpu.matmul %get3A_6, %get3A_1, %dot_general3A {dimension_numbers = #tpu.dot_dimension_numbers<[1], [1], [0], [0], [0, 0, 1, 0], [], []>, precision = #tpu.contract_precision<fp32>, transpose_lhs_hint = false} : vector<2000x128xf32>, vector<64x128xf32>, vector<2000x64xf32> -> vector<2000x64xf32>
    %swap3A = arith.constant 0 : index
    %swap3A_8 = arith.constant 0 : index
    %swap3A_9 = arith.constant 0 : index
    %swap3A_10 = vector.load %arg3[%swap3A, %swap3A_8, %swap3A_9] : memref<2x2000x128xf32, #tpu.memory_space<vmem>>, vector<1x2000x64xf32>
    %swap3A_11 = vector.shape_cast %swap3A_10 : vector<1x2000x64xf32> to vector<2000x64xf32>
    %swap3A_12 = vector.shape_cast %dot_general3A_7 : vector<2000x64xf32> to vector<1x2000x64xf32>
    tpu.vector_store %arg3[%swap3A, %swap3A_8, %swap3A_9], %swap3A_12 {strides = array<i32>} : memref<2x2000x128xf32, #tpu.memory_space<vmem>>, vector<1x2000x64xf32>,
    %get3A_13 = arith.constant 1 : index
    %get3A_14 = arith.constant 0 : index
    %get3A_15 = arith.constant 0 : index
    %get3A_16 = vector.load %arg1[%get3A_13, %get3A_14, %get3A_15] : memref<4x2000x128xf32, #tpu.memory_space<vmem>>, vector<1x2000x128xf32>
    %get3A_17 = vector.shape_cast %get3A_16 : vector<1x2000x128xf32> to vector<2000x128xf32>
    %dot_general3A_18 = arith.constant dense<0.000000e+00> : vector<2000x64xf32>
    %dot_general3A_19 = tpu.matmul %get3A_17, %get3A_1, %dot_general3A_18 {dimension_numbers = #tpu.dot_dimension_numbers<[1], [1], [0], [0], [0, 0, 1, 0], [], []>, precision = #tpu.contract_precision<fp32>, transpose_lhs_hint = false} : vector<2000x128xf32>, vector<64x128xf32>, vector<2000x64xf32> -> vector<2000x64xf32>
    %swap3A_20 = arith.constant 0 : index
    %swap3A_21 = arith.constant 0 : index
    %swap3A_22 = arith.constant 64 : index
    %swap3A_23 = vector.load %arg3[%swap3A_20, %swap3A_21, %swap3A_22] : memref<2x2000x128xf32, #tpu.memory_space<vmem>>, vector<1x2000x64xf32>
    %swap3A_24 = vector.shape_cast %swap3A_23 : vector<1x2000x64xf32> to vector<2000x64xf32>
    %swap3A_25 = vector.shape_cast %dot_general3A_19 : vector<2000x64xf32> to vector<1x2000x64xf32>
    tpu.vector_store %arg3[%swap3A_20, %swap3A_21, %swap3A_22], %swap3A_25 {strides = array<i32>} : memref<2x2000x128xf32, #tpu.memory_space<vmem>>, vector<1x2000x64xf32>,
    %get3A_26 = arith.constant 2 : index
    %get3A_27 = arith.constant 0 : index
    %get3A_28 = arith.constant 0 : index
    %get3A_29 = vector.load %arg1[%get3A_26, %get3A_27, %get3A_28] : memref<4x2000x128xf32, #tpu.memory_space<vmem>>, vector<1x2000x128xf32>
    %get3A_30 = vector.shape_cast %get3A_29 : vector<1x2000x128xf32> to vector<2000x128xf32>
    %dot_general3A_31 = arith.constant dense<0.000000e+00> : vector<2000x64xf32>
    %dot_general3A_32 = tpu.matmul %get3A_30, %get3A_1, %dot_general3A_31 {dimension_numbers = #tpu.dot_dimension_numbers<[1], [1], [0], [0], [0, 0, 1, 0], [], []>, precision = #tpu.contract_precision<fp32>, transpose_lhs_hint = false} : vector<2000x128xf32>, vector<64x128xf32>, vector<2000x64xf32> -> vector<2000x64xf32>
    %swap3A_33 = arith.constant 1 : index
    %swap3A_34 = arith.constant 0 : index
    %swap3A_35 = arith.constant 0 : index
    %swap3A_36 = vector.load %arg3[%swap3A_33, %swap3A_34, %swap3A_35] : memref<2x2000x128xf32, #tpu.memory_space<vmem>>, vector<1x2000x64xf32>
    %swap3A_37 = vector.shape_cast %swap3A_36 : vector<1x2000x64xf32> to vector<2000x64xf32>
    %swap3A_38 = vector.shape_cast %dot_general3A_32 : vector<2000x64xf32> to vector<1x2000x64xf32>
    tpu.vector_store %arg3[%swap3A_33, %swap3A_34, %swap3A_35], %swap3A_38 {strides = array<i32>} : memref<2x2000x128xf32, #tpu.memory_space<vmem>>, vector<1x2000x64xf32>,
    %get3A_39 = arith.constant 3 : index
    %get3A_40 = arith.constant 0 : index
    %get3A_41 = arith.constant 0 : index
    %get3A_42 = vector.load %arg1[%get3A_39, %get3A_40, %get3A_41] : memref<4x2000x128xf32, #tpu.memory_space<vmem>>, vector<1x2000x128xf32>
    %get3A_43 = vector.shape_cast %get3A_42 : vector<1x2000x128xf32> to vector<2000x128xf32>
    %dot_general3A_44 = arith.constant dense<0.000000e+00> : vector<2000x64xf32>
    %dot_general3A_45 = tpu.matmul %get3A_43, %get3A_1, %dot_general3A_44 {dimension_numbers = #tpu.dot_dimension_numbers<[1], [1], [0], [0], [0, 0, 1, 0], [], []>, precision = #tpu.contract_precision<fp32>, transpose_lhs_hint = false} : vector<2000x128xf32>, vector<64x128xf32>, vector<2000x64xf32> -> vector<2000x64xf32>
    %swap3A_46 = arith.constant 1 : index
    %swap3A_47 = arith.constant 0 : index
    %swap3A_48 = arith.constant 64 : index
    %swap3A_49 = vector.load %arg3[%swap3A_46, %swap3A_47, %swap3A_48] : memref<2x2000x128xf32, #tpu.memory_space<vmem>>, vector<1x2000x64xf32>
    %swap3A_50 = vector.shape_cast %swap3A_49 : vector<1x2000x64xf32> to vector<2000x64xf32>
    %swap3A_51 = vector.shape_cast %dot_general3A_45 : vector<2000x64xf32> to vector<1x2000x64xf32>
    tpu.vector_store %arg3[%swap3A_46, %swap3A_47, %swap3A_48], %swap3A_51 {strides = array<i32>} : memref<2x2000x128xf32, #tpu.memory_space<vmem>>, vector<1x2000x64xf32>,
    return
  }
  func.func @transform_0(%arg0: i32) -> (i32, i32, i32) {
    %c0_i32 = arith.constant 0 : i32
    %c0_i32_0 = arith.constant 0 : i32
    %c0_i32_1 = arith.constant 0 : i32
    return %c0_i32, %arg0, %c0_i32_0 : i32, i32, i32
  }
  func.func @transform_1(%arg0: i32) -> (i32, i32) {
    %c0_i32 = arith.constant 0 : i32
    %c0_i32_0 = arith.constant 0 : i32
    %c0_i32_1 = arith.constant 0 : i32
    return %c0_i32, %c0_i32_0 : i32, i32
  }
  func.func @transform_2(%arg0: i32) -> (i32, i32, i32) {
    %c0_i32 = arith.constant 0 : i32
    %c0_i32_0 = arith.constant 0 : i32
    %c0_i32_1 = arith.constant 0 : i32
    return %c0_i32, %arg0, %c0_i32_0 : i32, i32, i32
  }
}

module attributes {stable_mosaic.version = 14 : i64} {
  func.func @body(%arg0: memref<2x5120x128xf32, #tpu.memory_space<vmem>>, %arg1: memref<20480x128xf32, #tpu.memory_space<vmem>>, %arg2: memref<64x128xf32, #tpu.memory_space<vmem>>, %arg3: memref<64xf32, #tpu.memory_space<vmem>>, %arg4: memref<64xf32, #tpu.memory_space<vmem>>, %arg5: memref<4x5000x128xf32, #tpu.memory_space<vmem>>) attributes {dimension_semantics = [], scalar_prefetch = 0 : i64, scratch_operands = 0 : i64, tpu.core_type = #tpu.core_type<tc>} {
    %get3A = arith.constant 0 : index
    %get3A_0 = arith.constant 0 : index
    %get3A_1 = vector.load %arg2[%get3A, %get3A_0] : memref<64x128xf32, #tpu.memory_space<vmem>>, vector<64x128xf32>
    %get3A_2 = arith.constant 0 : index
    %get3A_3 = vector.load %arg3[%get3A_2] : memref<64xf32, #tpu.memory_space<vmem>>, vector<64xf32>
    %broadcast_in_dim3A = vector.shape_cast %get3A_3 : vector<64xf32> to vector<1x64xf32>
    %get3A_4 = arith.constant 0 : index
    %get3A_5 = vector.load %arg4[%get3A_4] : memref<64xf32, #tpu.memory_space<vmem>>, vector<64xf32>
    %broadcast_in_dim3A_6 = vector.shape_cast %get3A_5 : vector<64xf32> to vector<1x64xf32>
    %get3A_7 = arith.constant 0 : index
    %get3A_8 = arith.constant 0 : index
    %get3A_9 = arith.constant 0 : index
    %get3A_10 = vector.load %arg0[%get3A_7, %get3A_8, %get3A_9] : memref<2x5120x128xf32, #tpu.memory_space<vmem>>, vector<1x5000x64xf32>
    %get3A_11 = vector.shape_cast %get3A_10 : vector<1x5000x64xf32> to vector<5000x64xf32>
    %add3A = vector.broadcast %broadcast_in_dim3A : vector<1x64xf32> to vector<5000x64xf32>
    %add3A_12 = arith.addf %get3A_11, %add3A : vector<5000x64xf32>
    %max3A = arith.constant 0.000000e+00 : f32
    %max3A_13 = vector.broadcast %max3A : f32 to vector<5000x64xf32>
    %max3A_14 = arith.maximumf %add3A_12, %max3A_13 : vector<5000x64xf32>
    %swap3A = arith.constant 0 : index
    %swap3A_15 = arith.constant 0 : index
    %swap3A_16 = arith.constant 0 : index
    %swap3A_17 = vector.load %arg5[%swap3A, %swap3A_15, %swap3A_16] : memref<4x5000x128xf32, #tpu.memory_space<vmem>>, vector<1x5000x64xf32>
    %swap3A_18 = vector.shape_cast %swap3A_17 : vector<1x5000x64xf32> to vector<5000x64xf32>
    %swap3A_19 = vector.shape_cast %max3A_14 : vector<5000x64xf32> to vector<1x5000x64xf32>
    tpu.vector_store %arg5[%swap3A, %swap3A_15, %swap3A_16], %swap3A_19 {strides = array<i32>} : memref<4x5000x128xf32, #tpu.memory_space<vmem>>, vector<1x5000x64xf32>,
    %get3A_20 = arith.constant 0 : index
    %get3A_21 = arith.constant 0 : index
    %get3A_22 = vector.load %arg1[%get3A_20, %get3A_21] : memref<20480x128xf32, #tpu.memory_space<vmem>>, vector<5000x128xf32>
    %dot_general3A = arith.constant dense<0.000000e+00> : vector<5000x64xf32>
    %dot_general3A_23 = tpu.matmul %get3A_22, %get3A_1, %dot_general3A {dimension_numbers = #tpu.dot_dimension_numbers<[1], [1], [0], [0], [0, 0, 1, 0], [], []>, precision = #tpu.contract_precision<fp32>, transpose_lhs_hint = false} : vector<5000x128xf32>, vector<64x128xf32>, vector<5000x64xf32> -> vector<5000x64xf32>
    %add3A_24 = vector.broadcast %broadcast_in_dim3A_6 : vector<1x64xf32> to vector<5000x64xf32>
    %add3A_25 = arith.addf %dot_general3A_23, %add3A_24 : vector<5000x64xf32>
    %max3A_26 = arith.constant 0.000000e+00 : f32
    %max3A_27 = vector.broadcast %max3A_26 : f32 to vector<5000x64xf32>
    %max3A_28 = arith.maximumf %add3A_25, %max3A_27 : vector<5000x64xf32>
    %swap3A_29 = arith.constant 0 : index
    %swap3A_30 = arith.constant 0 : index
    %swap3A_31 = arith.constant 64 : index
    %swap3A_32 = vector.load %arg5[%swap3A_29, %swap3A_30, %swap3A_31] : memref<4x5000x128xf32, #tpu.memory_space<vmem>>, vector<1x5000x64xf32>
    %swap3A_33 = vector.shape_cast %swap3A_32 : vector<1x5000x64xf32> to vector<5000x64xf32>
    %swap3A_34 = vector.shape_cast %max3A_28 : vector<5000x64xf32> to vector<1x5000x64xf32>
    tpu.vector_store %arg5[%swap3A_29, %swap3A_30, %swap3A_31], %swap3A_34 {strides = array<i32>} : memref<4x5000x128xf32, #tpu.memory_space<vmem>>, vector<1x5000x64xf32>,
    %get3A_35 = arith.constant 0 : index
    %get3A_36 = arith.constant 0 : index
    %get3A_37 = arith.constant 64 : index
    %get3A_38 = vector.load %arg0[%get3A_35, %get3A_36, %get3A_37] : memref<2x5120x128xf32, #tpu.memory_space<vmem>>, vector<1x5000x64xf32>
    %get3A_39 = vector.shape_cast %get3A_38 : vector<1x5000x64xf32> to vector<5000x64xf32>
    %add3A_40 = vector.broadcast %broadcast_in_dim3A : vector<1x64xf32> to vector<5000x64xf32>
    %add3A_41 = arith.addf %get3A_39, %add3A_40 : vector<5000x64xf32>
    %max3A_42 = arith.constant 0.000000e+00 : f32
    %max3A_43 = vector.broadcast %max3A_42 : f32 to vector<5000x64xf32>
    %max3A_44 = arith.maximumf %add3A_41, %max3A_43 : vector<5000x64xf32>
    %swap3A_45 = arith.constant 1 : index
    %swap3A_46 = arith.constant 0 : index
    %swap3A_47 = arith.constant 0 : index
    %swap3A_48 = vector.load %arg5[%swap3A_45, %swap3A_46, %swap3A_47] : memref<4x5000x128xf32, #tpu.memory_space<vmem>>, vector<1x5000x64xf32>
    %swap3A_49 = vector.shape_cast %swap3A_48 : vector<1x5000x64xf32> to vector<5000x64xf32>
    %swap3A_50 = vector.shape_cast %max3A_44 : vector<5000x64xf32> to vector<1x5000x64xf32>
    tpu.vector_store %arg5[%swap3A_45, %swap3A_46, %swap3A_47], %swap3A_50 {strides = array<i32>} : memref<4x5000x128xf32, #tpu.memory_space<vmem>>, vector<1x5000x64xf32>,
    %get3A_51 = arith.constant 5120 : index
    %get3A_52 = arith.constant 0 : index
    %get3A_53 = vector.load %arg1[%get3A_51, %get3A_52] : memref<20480x128xf32, #tpu.memory_space<vmem>>, vector<5000x128xf32>
    %dot_general3A_54 = arith.constant dense<0.000000e+00> : vector<5000x64xf32>
    %dot_general3A_55 = tpu.matmul %get3A_53, %get3A_1, %dot_general3A_54 {dimension_numbers = #tpu.dot_dimension_numbers<[1], [1], [0], [0], [0, 0, 1, 0], [], []>, precision = #tpu.contract_precision<fp32>, transpose_lhs_hint = false} : vector<5000x128xf32>, vector<64x128xf32>, vector<5000x64xf32> -> vector<5000x64xf32>
    %add3A_56 = vector.broadcast %broadcast_in_dim3A_6 : vector<1x64xf32> to vector<5000x64xf32>
    %add3A_57 = arith.addf %dot_general3A_55, %add3A_56 : vector<5000x64xf32>
    %max3A_58 = arith.constant 0.000000e+00 : f32
    %max3A_59 = vector.broadcast %max3A_58 : f32 to vector<5000x64xf32>
    %max3A_60 = arith.maximumf %add3A_57, %max3A_59 : vector<5000x64xf32>
    %swap3A_61 = arith.constant 1 : index
    %swap3A_62 = arith.constant 0 : index
    %swap3A_63 = arith.constant 64 : index
    %swap3A_64 = vector.load %arg5[%swap3A_61, %swap3A_62, %swap3A_63] : memref<4x5000x128xf32, #tpu.memory_space<vmem>>, vector<1x5000x64xf32>
    %swap3A_65 = vector.shape_cast %swap3A_64 : vector<1x5000x64xf32> to vector<5000x64xf32>
    %swap3A_66 = vector.shape_cast %max3A_60 : vector<5000x64xf32> to vector<1x5000x64xf32>
    tpu.vector_store %arg5[%swap3A_61, %swap3A_62, %swap3A_63], %swap3A_66 {strides = array<i32>} : memref<4x5000x128xf32, #tpu.memory_space<vmem>>, vector<1x5000x64xf32>,
    %get3A_67 = arith.constant 1 : index
    %get3A_68 = arith.constant 0 : index
    %get3A_69 = arith.constant 0 : index
    %get3A_70 = vector.load %arg0[%get3A_67, %get3A_68, %get3A_69] : memref<2x5120x128xf32, #tpu.memory_space<vmem>>, vector<1x5000x64xf32>
    %get3A_71 = vector.shape_cast %get3A_70 : vector<1x5000x64xf32> to vector<5000x64xf32>
    %add3A_72 = vector.broadcast %broadcast_in_dim3A : vector<1x64xf32> to vector<5000x64xf32>
    %add3A_73 = arith.addf %get3A_71, %add3A_72 : vector<5000x64xf32>
    %max3A_74 = arith.constant 0.000000e+00 : f32
    %max3A_75 = vector.broadcast %max3A_74 : f32 to vector<5000x64xf32>
    %max3A_76 = arith.maximumf %add3A_73, %max3A_75 : vector<5000x64xf32>
    %swap3A_77 = arith.constant 2 : index
    %swap3A_78 = arith.constant 0 : index
    %swap3A_79 = arith.constant 0 : index
    %swap3A_80 = vector.load %arg5[%swap3A_77, %swap3A_78, %swap3A_79] : memref<4x5000x128xf32, #tpu.memory_space<vmem>>, vector<1x5000x64xf32>
    %swap3A_81 = vector.shape_cast %swap3A_80 : vector<1x5000x64xf32> to vector<5000x64xf32>
    %swap3A_82 = vector.shape_cast %max3A_76 : vector<5000x64xf32> to vector<1x5000x64xf32>
    tpu.vector_store %arg5[%swap3A_77, %swap3A_78, %swap3A_79], %swap3A_82 {strides = array<i32>} : memref<4x5000x128xf32, #tpu.memory_space<vmem>>, vector<1x5000x64xf32>,
    %get3A_83 = arith.constant 10240 : index
    %get3A_84 = arith.constant 0 : index
    %get3A_85 = vector.load %arg1[%get3A_83, %get3A_84] : memref<20480x128xf32, #tpu.memory_space<vmem>>, vector<5000x128xf32>
    %dot_general3A_86 = arith.constant dense<0.000000e+00> : vector<5000x64xf32>
    %dot_general3A_87 = tpu.matmul %get3A_85, %get3A_1, %dot_general3A_86 {dimension_numbers = #tpu.dot_dimension_numbers<[1], [1], [0], [0], [0, 0, 1, 0], [], []>, precision = #tpu.contract_precision<fp32>, transpose_lhs_hint = false} : vector<5000x128xf32>, vector<64x128xf32>, vector<5000x64xf32> -> vector<5000x64xf32>
    %add3A_88 = vector.broadcast %broadcast_in_dim3A_6 : vector<1x64xf32> to vector<5000x64xf32>
    %add3A_89 = arith.addf %dot_general3A_87, %add3A_88 : vector<5000x64xf32>
    %max3A_90 = arith.constant 0.000000e+00 : f32
    %max3A_91 = vector.broadcast %max3A_90 : f32 to vector<5000x64xf32>
    %max3A_92 = arith.maximumf %add3A_89, %max3A_91 : vector<5000x64xf32>
    %swap3A_93 = arith.constant 2 : index
    %swap3A_94 = arith.constant 0 : index
    %swap3A_95 = arith.constant 64 : index
    %swap3A_96 = vector.load %arg5[%swap3A_93, %swap3A_94, %swap3A_95] : memref<4x5000x128xf32, #tpu.memory_space<vmem>>, vector<1x5000x64xf32>
    %swap3A_97 = vector.shape_cast %swap3A_96 : vector<1x5000x64xf32> to vector<5000x64xf32>
    %swap3A_98 = vector.shape_cast %max3A_92 : vector<5000x64xf32> to vector<1x5000x64xf32>
    tpu.vector_store %arg5[%swap3A_93, %swap3A_94, %swap3A_95], %swap3A_98 {strides = array<i32>} : memref<4x5000x128xf32, #tpu.memory_space<vmem>>, vector<1x5000x64xf32>,
    %get3A_99 = arith.constant 1 : index
    %get3A_100 = arith.constant 0 : index
    %get3A_101 = arith.constant 64 : index
    %get3A_102 = vector.load %arg0[%get3A_99, %get3A_100, %get3A_101] : memref<2x5120x128xf32, #tpu.memory_space<vmem>>, vector<1x5000x64xf32>
    %get3A_103 = vector.shape_cast %get3A_102 : vector<1x5000x64xf32> to vector<5000x64xf32>
    %add3A_104 = vector.broadcast %broadcast_in_dim3A : vector<1x64xf32> to vector<5000x64xf32>
    %add3A_105 = arith.addf %get3A_103, %add3A_104 : vector<5000x64xf32>
    %max3A_106 = arith.constant 0.000000e+00 : f32
    %max3A_107 = vector.broadcast %max3A_106 : f32 to vector<5000x64xf32>
    %max3A_108 = arith.maximumf %add3A_105, %max3A_107 : vector<5000x64xf32>
    %swap3A_109 = arith.constant 3 : index
    %swap3A_110 = arith.constant 0 : index
    %swap3A_111 = arith.constant 0 : index
    %swap3A_112 = vector.load %arg5[%swap3A_109, %swap3A_110, %swap3A_111] : memref<4x5000x128xf32, #tpu.memory_space<vmem>>, vector<1x5000x64xf32>
    %swap3A_113 = vector.shape_cast %swap3A_112 : vector<1x5000x64xf32> to vector<5000x64xf32>
    %swap3A_114 = vector.shape_cast %max3A_108 : vector<5000x64xf32> to vector<1x5000x64xf32>
    tpu.vector_store %arg5[%swap3A_109, %swap3A_110, %swap3A_111], %swap3A_114 {strides = array<i32>} : memref<4x5000x128xf32, #tpu.memory_space<vmem>>, vector<1x5000x64xf32>,
    %get3A_115 = arith.constant 15360 : index
    %get3A_116 = arith.constant 0 : index
    %get3A_117 = vector.load %arg1[%get3A_115, %get3A_116] : memref<20480x128xf32, #tpu.memory_space<vmem>>, vector<5000x128xf32>
    %dot_general3A_118 = arith.constant dense<0.000000e+00> : vector<5000x64xf32>
    %dot_general3A_119 = tpu.matmul %get3A_117, %get3A_1, %dot_general3A_118 {dimension_numbers = #tpu.dot_dimension_numbers<[1], [1], [0], [0], [0, 0, 1, 0], [], []>, precision = #tpu.contract_precision<fp32>, transpose_lhs_hint = false} : vector<5000x128xf32>, vector<64x128xf32>, vector<5000x64xf32> -> vector<5000x64xf32>
    %add3A_120 = vector.broadcast %broadcast_in_dim3A_6 : vector<1x64xf32> to vector<5000x64xf32>
    %add3A_121 = arith.addf %dot_general3A_119, %add3A_120 : vector<5000x64xf32>
    %max3A_122 = arith.constant 0.000000e+00 : f32
    %max3A_123 = vector.broadcast %max3A_122 : f32 to vector<5000x64xf32>
    %max3A_124 = arith.maximumf %add3A_121, %max3A_123 : vector<5000x64xf32>
    %swap3A_125 = arith.constant 3 : index
    %swap3A_126 = arith.constant 0 : index
    %swap3A_127 = arith.constant 64 : index
    %swap3A_128 = vector.load %arg5[%swap3A_125, %swap3A_126, %swap3A_127] : memref<4x5000x128xf32, #tpu.memory_space<vmem>>, vector<1x5000x64xf32>
    %swap3A_129 = vector.shape_cast %swap3A_128 : vector<1x5000x64xf32> to vector<5000x64xf32>
    %swap3A_130 = vector.shape_cast %max3A_124 : vector<5000x64xf32> to vector<1x5000x64xf32>
    tpu.vector_store %arg5[%swap3A_125, %swap3A_126, %swap3A_127], %swap3A_130 {strides = array<i32>} : memref<4x5000x128xf32, #tpu.memory_space<vmem>>, vector<1x5000x64xf32>,
    return
  }
}

</mosaic_0001>

<sc_bundles>
// kernel: kernel.5.cloned.1.call-start
scs
__scs_entry_jumppad:
0x0: {  	(pc) =	sbr.rel $0x88, $3  }
0x1: {  	(tag) =	ssettag $0x0;
	lr =	simm.s32 $0x1  }
0x2: {  	[smem:$0x3F99] =	sst lr;
	_ =	strace $0xD0000000  }
0x3: {  	_ = 	snop  }
0x4: {  	_ = 	snop  }
0x5: {  	_ = 	snop  }
0x6: {  	_ = 	snop  }
0x7: {  	_ = 	snop  }
__scs_overlays_trampoline_lowered:
0x8: {  	[smem:$0x3FA8] =	sst s0  }
0x9: {  	[smem:$0x3FA9] =	sst s1  }
0xa: {  	[smem:$0x3FAA] =	sst s2  }
0xb: {  	[smem:$0x3FAB] =	sst s3  }
0xc: {  	[smem:$0x3FAC] =	sst s4  }
0xd: {  	[smem:$0x3FAD] =	sst s5  }
0xe: {  	[smem:$0x3FAE] =	sst s6  }
0xf: {  	[smem:$0x3FAF] =	sst s7  }
0x10: {  	[smem:$0x3FB0] =	sst s8  }
0x11: {  	[smem:$0x3FB1] =	sst s9;
	s0 =	simm.s32 @!p0 $0x0  }
0x12: {  	s1 =	sld [smem:$0x3F97];
	s0 =	simm.s32 @p0 $0x1  }
0x13: {  	[smem:$0x3FB2] =	sst s0;
	s0 =	simm.s32 @!p1 $0x0  }
0x14: {  	s2 =	sld [smem:$0x3F96];
	s0 =	simm.s32 @p1 $0x1  }
0x15: {  	[smem:$0x3FB3] =	sst s0;
	s0 =	simm.s32 @!p2 $0x0  }
0x16: {  	s3 =	sld [smem:$0x3FDB];
	s0 =	simm.s32 @p2 $0x1  }
0x17: {  	s4 =	simm.s32 $0x1BF5;
	[smem:$0x3FB5] =	sst s0  }
0x18: {  	s0 =	sld [smem:$0x3F98];
	_ =	swait.ge [sflag:s4], $0x0  }
0x19: {  	s7 =	sld [smem:$0x3F99]  }
0x1a: {  	s8 =	sadd.s32 $0xFFFFE003, lr  }
0x1b: {  	s9 =	sadd.s32 $0xFFFFFEF7, lr;
	s5 =	simm.s32 $0xFFFFFFFF;
	p2 =	slt.u32 s8, $0xFFFFF086  }
0x1c: {  	p1 =	slt.u32 s9, $0xF7A;
	s5 =	simm.s32 @!p2 $0x0  }
0x1d: {  	s5 =	simm.s32 @p1 $0x1;
	p0 =	seq.s32 s7, s2  }
0x1e: {  	s7 =	smul.u32 @!p0 $0xF7A, s2;
	p2 =	seq.s32 @!p0 s5, $0x0  }
0x1f: {  	s9 =	smul.u32 $0xF7A, s1;
	s8 =	simm.s32 @!p0 $0x1BF5;
	p2 =	por !p2, p0  }
0x20: {  	[sflag:s8] =	ssyncset.s32 @!p0 $0xFFFFF086;
	s6 =	sadd.s32 @!p0 s3, s7;
	s7 =	simm.s32 @!p0 $0x108  }
0x21: {  	s3 =	sadd.s32 s3, s9;
	s6 =	sadd.s32 @!p0 $0x88, s6;
	s7 =	simm.s32 @p2 $0x1082  }
0x22: {  	[simem:s7], [sflag:s8] =	dma.local @!p0 [hbm:s6], $0xF7A  }
0x23: {  	s9 =	sor.u32 $0xD0000000, s2;
	s6 =	simm.s32 $0x108;
	_ =	swait.ge @!p0 [sflag:s8], $0x0  }
0x24: {  	s3 =	sadd.s32 $0x88, s3;
	s6 =	simm.s32 @!p1 $0x1082;
	[sflag:s4] =	ssyncset.s32 $0xFFFFF086  }
0x25: {  	[simem:s6], [sflag:s4] =	dma.local [hbm:s3], $0xF7A  }
0x26: {  	[smem:$0x3F99] =	sst s1;
	(tag) =	ssettag s2;
	_ =	strace s9  }
0x27: {  	s1 =	sld [smem:$0x3FA9]  }
0x28: {  	s2 =	sld [smem:$0x3FAA]  }
0x29: {  	s4 =	sld [smem:$0x3FAC]  }
0x2a: {  	p0 =	seq.s32 s5, $0x0;
	s5 =	sld [smem:$0x3FAD]  }
0x2b: {  	s6 =	sld [smem:$0x3FAE]  }
0x2c: {  	s7 =	sld [smem:$0x3FAF]  }
0x2d: {  	s3 =	simm.s32 $0x108;
	s8 =	sld [smem:$0x3FB0]  }
0x2e: {  	s3 =	simm.s32 @!p0 $0x1082;
	s9 =	sld [smem:$0x3FB1]  }
0x2f: {  	lr =	sadd.s32 s0, s3;
	s0 =	sld [smem:$0x3FA8]  }
0x30: {  	s3 =	sld [smem:$0x3FAB]  }
0x31: {  	[smem:$0x3FB4] =	sst s10  }
0x32: {  	s10 =	sld [smem:$0x3FB2];
	_ =	sdelay $0x3  }
0x33: {  	p0 =	seq.s32 s10, $0x1;
	s10 =	sld [smem:$0x3FB4];
	_ =	sdelay $0x3  }
0x34: {  	[smem:$0x3FB4] =	sst s10  }
0x35: {  	s10 =	sld [smem:$0x3FB3];
	_ =	sdelay $0x3  }
0x36: {  	p1 =	seq.s32 s10, $0x1;
	s10 =	sld [smem:$0x3FB4];
	_ =	sdelay $0x3  }
0x37: {  	[smem:$0x3FB4] =	sst s10  }
0x38: {  	s10 =	sld [smem:$0x3FB5]  }
0x39: {  	_ = 	snop;
	(pc) =	sbr.ind lr, $3  }
0x3a: {  	_ = 	snop  }
0x3b: {  	_ = 	snop  }
0x3c: {  	p2 =	seq.s32 s10, $0x1;
	s10 =	sld [smem:$0x3FB4]  }
0x3d: {  	_ =	shalt  }
0x3e: {  	_ =	shalt  }
0x3f: {  	_ =	shalt  }
0x40: {  	_ =	shalt  }
0x41: {  	_ =	shalt  }
0x42: {  	_ =	shalt  }
0x43: {  	_ =	shalt  }
0x44: {  	_ =	shalt  }
0x45: {  	_ =	shalt  }
0x46: {  	_ =	shalt  }
0x47: {  	_ =	shalt  }
0x48: {  	_ =	shalt  }
0x49: {  	_ =	shalt  }
0x4a: {  	_ =	shalt  }
0x4b: {  	_ =	shalt  }
0x4c: {  	_ =	shalt  }
0x4d: {  	_ =	shalt  }
0x4e: {  	_ =	shalt  }
0x4f: {  	_ =	shalt  }
0x50: {  	_ =	shalt  }
0x51: {  	_ =	shalt  }
0x52: {  	_ =	shalt  }
0x53: {  	_ =	shalt  }
0x54: {  	_ =	shalt  }
0x55: {  	_ =	shalt  }
0x56: {  	_ =	shalt  }
0x57: {  	_ =	shalt  }
0x58: {  	_ =	shalt  }
0x59: {  	_ =	shalt  }
0x5a: {  	_ =	shalt  }
0x5b: {  	_ =	shalt  }
0x5c: {  	_ =	shalt  }
0x5d: {  	_ =	shalt  }
0x5e: {  	_ =	shalt  }
0x5f: {  	_ =	shalt  }
0x60: {  	_ =	shalt  }
0x61: {  	_ =	shalt  }
0x62: {  	_ =	shalt  }
0x63: {  	_ =	shalt  }
0x64: {  	_ =	shalt  }
0x65: {  	_ =	shalt  }
0x66: {  	_ =	shalt  }
0x67: {  	_ =	shalt  }
0x68: {  	_ =	shalt  }
0x69: {  	_ =	shalt  }
0x6a: {  	_ =	shalt  }
0x6b: {  	_ =	shalt  }
0x6c: {  	_ =	shalt  }
0x6d: {  	_ =	shalt  }
0x6e: {  	_ =	shalt  }
0x6f: {  	_ =	shalt  }
0x70: {  	_ =	shalt  }
0x71: {  	_ =	shalt  }
0x72: {  	_ =	shalt  }
0x73: {  	_ =	shalt  }
0x74: {  	_ =	shalt  }
0x75: {  	_ =	shalt  }
0x76: {  	_ =	shalt  }
0x77: {  	_ =	shalt  }
0x78: {  	_ =	shalt  }
0x79: {  	_ =	shalt  }
0x7a: {  	_ =	shalt  }
0x7b: {  	_ =	shalt  }
0x7c: {  	_ =	shalt  }
0x7d: {  	_ =	shalt  }
0x7e: {  	_ =	shalt  }
0x7f: {  	_ =	shalt  }
0x80: {  	_ =	shalt  }
0x81: {  	_ =	shalt  }
0x82: {  	_ =	shalt  }
0x83: {  	_ =	shalt  }
0x84: {  	_ =	shalt  }
0x85: {  	_ =	shalt  }
0x86: {  	_ =	shalt  }
0x87: {  	_ =	shalt  }
.Lfunc_end0:
.L_simem_size_0:
called_computation_lowered:
.L_overlay_start_0:
0x88: {  	s2 =	sld [smem:$0x3FD9]  }
0x89: {  	s3 =	sld [smem:$0x3FFE];
	_ =	sdelay $0x1  }
0x8a: {  	s1 =	srdreg.scid  }
0x8b: {  	s0 =	sand.u32 $0x1, s1  }
0x8c: {  	s17 =	sshll.u32 s0, $0xA;
	s2 =	sadd.s32 s3, s2  }
0x8d: {  	s2 =	sadd.s32 s2, s17  }
0x8e: {  	[smem:$0x3FC0] =	sst s2  }
0x8f: {  	_ = 	snop  }
0x90: {  	s2 =	sld [smem:$0x3FC9]  }
0x91: {  	s18 =	sld [smem:$0x3FD0];
	(tm) =	ssettm $0x1  }
0x92: {  	s4 =	sld [smem:$0x3FFB];
	_ =	sdelay $0x3  }
0x93: {  	_ =	strace s4  }
0x94: {  	s4 =	sld [smem:$0x3FFC];
	_ =	sdelay $0x3  }
0x95: {  	_ =	strace s4  }
0x96: {  	s4 =	sld [smem:$0x3FFD];
	_ =	sdelay $0x3  }
0x97: {  	_ =	strace s4  }
0x98: {  	_ =	strace $0x8FFFFFFF  }
0x99: {  	s19 =	sld [smem:$0x3FDB];
	_ =	sdelay $0x1  }
0x9a: {  	s5 =	simm.s32 $_scs_section_size  }
0x9b: {  	s6 =	simm.s32 $_size__tile_overlayer_lowered;
	s7 =	simm.s32 $_tile_overlayer_lowered  }
0x9c: {  	s22 =	simm.s32 $0x1BFF;
	s21 =	sshll.u32 s7, $0x1;
	s4 =	sadd.s32 s5, s19  }
0x9d: {  	s8 =	simm.s32 $0x0;
	s20 =	sshll.u32 s6, $0x1;
	s6 =	sadd.s32 s21, s4  }
0x9e: {  	[timem:s8], [sflag:s22] =	dma.local [hbm:s6], s20  }
0x9f: {  	_ =	swait.ge [sflag:s22], s20  }
0xa0: {  	s5 =	ssub.s32 $0x0, s20;
	[sflag:s22] =	ssyncset.done $0x0  }
0xa1: {  	[sflag:s22] =	ssyncadd.s32 s5;
	_ =	sdelay $0x1  }
0xa2: {  	s23 =	simm.s32 $0x1B8B  }
0xa3: {  	_ =	swait.ge [sflag:s23], $0x1  }
0xa4: {  	[sflag:s23] =	ssyncset.done $0x0  }
0xa5: {  	s25 =	simm.s32 $0x1B8E;
	s24 =	sld [smem:$0x3FFE];
	[sflag:s23] =	ssyncadd.s32 $0xFFFFFFFF  }
0xa6: {  	s26 =	simm.s32 $execute0_lowered;
	[smem:$0x3FD2] =	sst s25  }
0xa7: {  	s6 =	sshll.u32 s26, $0x1;
	_ =	strace $0x80000046;
	[dreg:$0x1] =	wrdreg $0xFFFFFFFF  }
0xa8: {  	s28 =	simm.s32 $_size_execute0_lowered;
	s4 =	sadd.s32 s4, s6;
	[dreg:$0x0] =	wrdreg $0x0  }
0xa9: {  	s6 =	sshll.u32 s28, $0x1;
	[dreg:$0x2] =	wrdreg s4  }
0xaa: {  	[dreg:$0x3] =	wrdreg s6  }
0xab: {  	[dreg:$0x4] =	wrdreg $0xC0  }
0xac: {  	_ =	task [dreg:s8], $0x5FFFF  }
0xad: {  	[dreg:$0x1] =	wrdreg $0xFFFFFFFF  }
0xae: {  	[dreg:$0x0] =	wrdreg $0x60  }
0xaf: {  	[dreg:$0x2] =	wrdreg s18  }
0xb0: {  	[dreg:$0x3] =	wrdreg s24  }
0xb1: {  	[dreg:$0x4] =	wrdreg s2  }
0xb2: {  	[dreg:$0x5] =	wrdreg $0x0  }
0xb3: {  	[dreg:$0x6] =	wrdreg $0x9  }
0xb4: {  	_ =	task.clear_ibuf [dreg:s8], $0x7FFFF;
	_ =	strace $0x90000046  }
0xb5: {  	s29 =	simm.s32 $0x9;
	_ =	strace $0x80000048  }
0xb6: {  	_ =	swait.ge [sflag:s29], $0x1  }
0xb7: {  	[sflag:s29] =	ssyncadd.s32 $0xFFFFFFFF  }
0xb8: {  	_ =	strace $0x90000048  }
0xb9: {  	_ =	sfence  }
0xba: {  	s30 =	sld [smem:$0x0];
	_ =	sdelay $0x2  }
0xbb: {  	s31 =	sshll.u32 s1, $0xD;
	s1 =	sshrl.u32 s1, $0x2  }
0xbc: {  	s3 =	sand.u32 $0x4000, s31;
	s1 =	sadd.s32 s1, s30  }
0xbd: {  	s0 =	sor.u32 s3, s0;
	s1 =	sshll.u32 s1, $0x11  }
0xbe: {  	s0 =	sor.u32 s1, s0  }
0xbf: {  	s0 =	sadd.s32 $0x8F2B, s0  }
0xc0: {  	[sflag:s0] =	ssyncadd.remote.s32 $0x1  }
0xc1: {  	_ =	sfence.sel $0xFFFF  }
0xc2: {  	[dreg:$0x0] =	wrdreg $0xFFFFFFFF;
	(pc) =	sbr.abs _section_cstart, $3  }
0xc3: {  	[dreg:$0x1] =	wrdreg $0xFFFFFFFF  }
0xc4: {  	_ =	task.clear_ibuf [dreg:s8], $0x2FFFF;
	_ =	strace $0x9FFFFFFF  }
0xc5: {  	(tm) =	ssettm $0x7FFFFFFF  }
tec
execute0_lowered:
.L_overlay_start_1:
0x0: {  	(tag) =	ssettag $0x1  }
0x1: {  	s4 =	rddreg [dreg:$0x0]  }
0x2: {  	s1 =	rddreg [dreg:$0x1]  }
0x3: {  	s0 =	rddreg [dreg:$0x2];
	s3 =	srdreg.scid  }
0x4: {  	s2 =	rddreg [dreg:$0x3];
	s20 =	stileid.u32  }
0x5: {  	s5 =	sand.u32 $0x1, s3;
	s3 =	simm.s32 $0x0;
	s7 =	sshll.u32 s20, $0x1  }
0x6: {  	s15 =	smul.u32 $0x140, s20;
	s10 =	sadd.s32 $0x1200, s1;
	s13 =	sadd.s32 $0x1600, s1  }
0x7: {  	s6 =	smul.u32 $0x14000, s5;
	[smem:$0x7FF] =	sst s3;
	s9 =	ssub.s32 $0x2, s5  }
0x8: {  	s8 =	smul.u32 $0x27100, s5;
	s5 =	sor.u32 s5, s7;
	s11 =	sshrl.u32 s9, $0x1  }
0x9: {  	s12 =	smul.u32 $0x280, s5;
	s17 =	sshrl.u32 s15, $0x3;
	s7 =	sadd.s32 $0xF0, s15  }
0xa: {  	s5 =	smul.u32 $0x2800, s5;
	s6 =	sadd.s32 s6, s1;
	s9 =	ssub.s32 s9, s11  }
0xb: {  	s4 =	sadd.s32 s4, s8;
	s11 =	sadd.s32 $0x50, s15;
	s21 =	sshrl.u32 s7, $0x3  }
0xc: {  	s7 =	sshll.u32 s7, $0x4;
	s16 =	sshrl.u32 s12, $0x3;
	s14 =	sshrl.u32 s11, $0x3  }
0xd: {  	s23 =	sadd.s32 $0x100, s12;
	s24 =	sadd.s32 $0x180, s12;
	s6 =	sadd.s32 $0x6FA00, s6  }
0xe: {  	s29 =	smax.u32 s9, $0x1;
	s9 =	simm.s32 $0x17D00;
	s8 =	sadd.s32 s13, s16  }
0xf: {  	s18 =	sadd.s32 s10, s14;
	s25 =	sshrl.u32 s23, $0x3;
	[dreg:$0x5] =	wrdreg s8  }
0x10: {  	s8 =	sadd.s32 s10, s17;
	[dreg:$0x7] =	wrdreg s18;
	s17 =	sshrl.u32 s24, $0x3  }
0x11: {  	[dreg:$0x6] =	wrdreg s8;
	s8 =	sadd.s32 $0xA0, s15;
	s15 =	sadd.s32 $0x80, s12  }
0x12: {  	s12 =	sadd.s32 $0x200, s12;
	s26 =	sadd.s32 s13, s17;
	s19 =	sshrl.u32 s8, $0x3  }
0x13: {  	s16 =	sshrl.u32 s15, $0x3;
	s18 =	sshrl.u32 s12, $0x3;
	[dreg:$0xc] =	wrdreg s26  }
0x14: {  	s15 =	sshll.u32 s15, $0x4;
	s8 =	sshll.u32 s8, $0x4;
	s26 =	smul.u32 $0x4F000, s20  }
0x15: {  	s14 =	sadd.s32 s10, s19;
	s10 =	sadd.s32 s10, s21;
	s22 =	sadd.s32 s13, s16  }
0x16: {  	s16 =	sadd.s32 s13, s25;
	s13 =	sadd.s32 s13, s18;
	[dreg:$0x8] =	wrdreg s14  }
0x17: {  	s18 =	sshll.u32 s23, $0x4;
	s19 =	sshll.u32 s24, $0x4;
	[dreg:$0x9] =	wrdreg s10  }
0x18: {  	s21 =	sshll.u32 s12, $0x4;
	s23 =	smul.u32 $0x1400, s20;
	[dreg:$0xa] =	wrdreg s22  }
0x19: {  	s24 =	sshll.u32 s11, $0x4;
	s11 =	simm.s32 $0x17D80;
	[dreg:$0xb] =	wrdreg s16  }
0x1a: {  	s12 =	simm.s32 $0x50;
	[dreg:$0xd] =	wrdreg s13;
	s16 =	sadd.s32 $0x1FA00, s1  }
0x1b: {  	s25 =	sadd.s32 s24, s6;
	s24 =	sadd.s32 $0xBE00, s1;
	s10 =	simm.s32 $0x80  }
0x1c: {  	s13 =	simm.s32 $0x17E00;
	s5 =	sadd.s32 s16, s5;
	[dreg:$0x14] =	wrdreg s25  }
0x1d: {  	s14 =	simm.s32 $0x0;
	s17 =	sadd.s32 s16, s15;
	[dreg:$0xe] =	wrdreg s5  }
0x1e: {  	s22 =	sadd.s32 s16, s21;
	s25 =	sadd.s32 $0x2000, s1;
	[dreg:$0xf] =	wrdreg s17  }
0x1f: {  	s5 =	sadd.s32 s16, s18;
	[dreg:$0x12] =	wrdreg s22;
	s22 =	sadd.s32 s8, s6  }
0x20: {  	s8 =	simm.s32 $0x17C80;
	[dreg:$0x10] =	wrdreg s5;
	s5 =	sadd.s32 s16, s19  }
0x21: {  	[dreg:$0x11] =	wrdreg s5;
	s5 =	sadd.s32 s23, s6;
	s23 =	sadd.s32 s7, s6  }
0x22: {  	s6 =	simm.s32 $0x1;
	s7 =	simm.s32 $0x17C00;
	[dreg:$0x13] =	wrdreg s5  }
0x23: {  	s5 =	sshrl.u32 s26, $0x2;
	s26 =	sadd.s32 $0x15C00, s1;
	s1 =	smul.u32 $0x9D, s20  }
0x24: {  	_ =	strace $0x80000047;
	s28 =	sadd.s32 s5, s2;
	s5 =	simm.s32 $0x13C00  }
0x25: {  	v0 =	vimm.f32 $0.0e+00;
	s30 =	sadd.s32 $0x4000, s28;
	s31 =	sadd.s32 $0x8000, s28;
	s19 =	sadd.s32 $0xC000, s28  }
.LBB2_1:
0x26: {  	s15 =	simm.s32 $0x0;
	s16 =	simm.s32 $0x200  }
.LBB2_2:
0x27: {  	p0 =	sne.s32 s16, $0xFE00;
	[tilespmem:s15+$0x13C70] =	vst v0  }
0x28: {  	[tilespmem:s15+$0x13C00] =	vst v0  }
0x29: {  	[tilespmem:s15+$0x13C10] =	vst v0  }
.Ltmp0:
0x2a: {  	[tilespmem:s15+$0x13C20] =	vst v0;
	(pc) =	sbr.rel @p0 .LBB2_2-.Ltmp0, $4  }
0x2b: {  	[tilespmem:s15+$0x13C30] =	vst v0  }
0x2c: {  	[tilespmem:s15+$0x13C40] =	vst v0  }
0x2d: {  	[tilespmem:s15+$0x13C50] =	vst v0  }
0x2e: {  	[tilespmem:s15+$0x13C60] =	vst v0;
	s15 =	sshra.s32 s16, $0x2;
	s16 =	sadd.s32 $0x200, s16  }
0x2f: {  	[tilespmem:s15+$0x13C70] =	vst v0  }
0x30: {  	[tilespmem:s15+$0x13C00] =	vst v0  }
0x31: {  	[tilespmem:s15+$0x13C10] =	vst v0  }
0x32: {  	[tilespmem:s15+$0x13C20] =	vst v0  }
0x33: {  	[tilespmem:s15+$0x13C30] =	vst v0  }
0x34: {  	[tilespmem:s15+$0x13C40] =	vst v0  }
0x35: {  	[tilespmem:s15+$0x13C50] =	vst v0  }
0x36: {  	[tilespmem:s15+$0x13C60] =	vst v0  }
0x37: {  	[spmem:s28] =	stream.linear.scatter [tilespmem:s5], [sflag:$0x1], $0x4000, $0x38;
	[tilespmem:$0x17E80] =	vst v63  }
0x38: {  	_ =	swait.ge [sflag:s6], $0x4000  }
0x39: {  	[sflag:s6] =	ssyncset.done $0x0  }
0x3a: {  	[sflag:s6] =	ssyncadd.s32 $0xFFFFC000  }
0x3b: {  	[spmem:s30] =	stream.linear.scatter [tilespmem:s5], [sflag:$0x1], $0x4000, $0x38;
	[tilespmem:$0x17E80] =	vst v63  }
0x3c: {  	_ =	swait.ge [sflag:s6], $0x4000  }
0x3d: {  	[sflag:s6] =	ssyncset.done $0x0  }
0x3e: {  	[sflag:s6] =	ssyncadd.s32 $0xFFFFC000  }
0x3f: {  	[spmem:s31] =	stream.linear.scatter [tilespmem:s5], [sflag:$0x1], $0x4000, $0x38;
	[tilespmem:$0x17E80] =	vst v63  }
0x40: {  	_ =	swait.ge [sflag:s6], $0x4000  }
0x41: {  	[sflag:s6] =	ssyncset.done $0x0  }
0x42: {  	[sflag:s6] =	ssyncadd.s32 $0xFFFFC000  }
0x43: {  	[spmem:s19] =	stream.linear.scatter [tilespmem:s5], [sflag:$0x1], $0x4000, $0x38;
	[tilespmem:$0x17E80] =	vst v63  }
0x44: {  	_ =	swait.ge [sflag:s6], $0x4000  }
0x45: {  	[sflag:s6] =	ssyncset.done $0x0  }
0x46: {  	[sflag:s6] =	ssyncadd.s32 $0xFFFFC000  }
0x47: {  	s15 =	simm.s32 $0x0;
	s16 =	simm.s32 $0x0;
	[bflag:$0x0] =	sbarrier.arrive $0xFFFF  }
.LBB2_4:
0x48: {  	s17 =	sadd.s32 s1, s16  }
0x49: {  	s17 =	sshll.u32 s17, $0x4  }
0x4a: {  	s18 =	sadd.s32 s24, s17  }
0x4b: {  	[tilespmem:s7], [sflag:$0x1] =	stream.linear.gather [hbm4b:s18+s15], $0x80, $0x38;
	[tilespmem:$0x17E80] =	vst v63  }
0x4c: {  	_ =	swait.ge [sflag:s6], $0x80  }
0x4d: {  	[sflag:s6] =	ssyncset.done $0x0  }
0x4e: {  	s21 =	sadd.s32 s25, s17;
	[sflag:s6] =	ssyncadd.s32 $0xFFFFFF80  }
0x4f: {  	[tilespmem:s8], [sflag:$0x1] =	stream.linear.gather [hbm4b:s21+s15], $0x80, $0x38;
	[tilespmem:$0x17E80] =	vst v63  }
0x50: {  	_ =	swait.ge [sflag:s6], $0x80  }
0x51: {  	[sflag:s6] =	ssyncset.done $0x0  }
0x52: {  	s17 =	sadd.s32 s26, s17;
	[sflag:s6] =	ssyncadd.s32 $0xFFFFFF80  }
0x53: {  	[tilespmem:s9], [sflag:$0x1] =	stream.linear.gather [hbm4b:s17+s15], $0x80, $0x38;
	[tilespmem:$0x17E80] =	vst v63  }
0x54: {  	_ =	swait.ge [sflag:s6], $0x80  }
0x55: {  	[sflag:s6] =	ssyncset.done $0x0  }
0x56: {  	[sflag:s6] =	ssyncadd.s32 $0xFFFFFF80  }
0x57: {  	[tilespmem:s5], [sflag:$0x1] =	stream.indirect.gather [hbm4b:s4+s10], $0x80, s8, s10, $0xb8;
	[tilespmem:$0x17E80] =	vst v63  }
0x58: {  	_ =	swait.ge [sflag:s6], $0x4000  }
0x59: {  	v1 =	vmov s15;
	[sflag:s6] =	ssyncset.done $0x0  }
0x5a: {  	s17 =	simm.s32 $0x13C40;
	[sflag:s6] =	ssyncadd.s32 $0xFFFFC000  }
0x5b: {  	v5 =	vld [tilespmem:s17+$0x30]  }
0x5c: {  	v8 =	vld [tilespmem:s17+$0x10]  }
0x5d: {  	v6 =	vld [tilespmem:s17+$0xFFFFFFC0]  }
0x5e: {  	v2 =	vld.idx.msk [tilespmem:v1+s9+$0x0], $0xffff  }
0x5f: {  	v10 =	vld [tilespmem:s17+$0xFFFFFFE0]  }
0x60: {  	v1 =	vld [tilespmem:s17+$0xFFFFFFF0]  }
0x61: {  	v3 =	vld [tilespmem:s17+$0x20]  }
0x62: {  	v4 =	vld [tilespmem:s17+$0xFFFFFFD0]  }
0x63: {  	v9 =	vmul.f32 v5, v2;
	v5 =	vld [tilespmem:s17+$0x0]  }
0x64: {  	v7 =	vmul.f32 v6, v2  }
0x65: {  	s20 =	simm.s32 $0x13C40;
	s18 =	simm.s32 $0x1;
	v6 =	vmul.f32 v10, v2;
	v8 =	vmul.f32 v8, v2  }
.LBB2_5:
0x66: {  	p0 =	sne.s32 s18, $0x7F  }
0x67: {  	v4 =	vmul.f32 v4, v2;
	v3 =	vmul.f32 v3, v2;
	[tilespmem:s17+$0x30] =	vst v9;
	s20 =	sadd.s32 $0x80, s20;
	s21 =	smov.u32 s18;
	s18 =	sadd.s32 $0x1, s18  }
0x68: {  	[tilespmem:s17+$0xFFFFFFC0] =	vst v7;
	v7 =	vmul.f32 v1, v2;
	v2 =	vmul.f32 v5, v2  }
0x69: {  	[tilespmem:s17+$0x10] =	vst v8  }
0x6a: {  	v5 =	vmov s21;
	[tilespmem:s17+$0xFFFFFFE0] =	vst v6  }
0x6b: {  	v1 =	vld [tilespmem:s20+$0xFFFFFFF0];
	[tilespmem:s17+$0xFFFFFFF0] =	vst v7  }
0x6c: {  	v6 =	vld [tilespmem:s20+$0x30];
	[tilespmem:s17+$0x0] =	vst v2  }
0x6d: {  	v8 =	vld [tilespmem:s20+$0x10];
	[tilespmem:s17+$0x20] =	vst v3  }
0x6e: {  	v7 =	vld [tilespmem:s20+$0xFFFFFFC0];
	[tilespmem:s17+$0xFFFFFFD0] =	vst v4;
	s17 =	smov.u32 s20  }
0x6f: {  	v2 =	vld.idx.msk [tilespmem:v5+s9+$0x0], $0xffff  }
0x70: {  	v10 =	vld [tilespmem:s20+$0xFFFFFFE0]  }
0x71: {  	v3 =	vld [tilespmem:s20+$0x20]  }
.Ltmp1:
0x72: {  	v4 =	vld [tilespmem:s20+$0xFFFFFFD0];
	(pc) =	sbr.rel @p0 .LBB2_5-.Ltmp1, $3  }
0x73: {  	v5 =	vld [tilespmem:s20+$0x0];
	_ =	sdelay $0x1  }
0x74: {  	v7 =	vmul.f32 v7, v2;
	v9 =	vmul.f32 v6, v2  }
0x75: {  	v8 =	vmul.f32 v8, v2;
	v6 =	vmul.f32 v10, v2  }
0x76: {  	[tilespmem:s17+$0x30] =	vst v9  }
0x77: {  	[tilespmem:s17+$0xFFFFFFC0] =	vst v7  }
0x78: {  	v1 =	vmul.f32 v1, v2;
	[tilespmem:s17+$0x10] =	vst v8  }
0x79: {  	v3 =	vmul.f32 v3, v2;
	[tilespmem:s17+$0xFFFFFFE0] =	vst v6  }
0x7a: {  	v5 =	vmul.f32 v5, v2;
	[tilespmem:s17+$0xFFFFFFF0] =	vst v1  }
0x7b: {  	s16 =	sadd.s32 $0x1, s16;
	v1 =	vmul.f32 v4, v2;
	[tilespmem:s17+$0x20] =	vst v3  }
0x7c: {  	p0 =	sne.s32 s16, $0x9D;
	[tilespmem:s17+$0x0] =	vst v5  }
.Ltmp2:
0x7d: {  	[tilespmem:s17+$0xFFFFFFD0] =	vst v1;
	(pc) =	sbr.rel @p0 .LBB2_4-.Ltmp2, $4  }
0x7e: {  	[spmem:s2] =	stream.indirect.scatter.add.f32 [tilespmem:s5], [sflag:$0x1], $0x80, s7, s10, $0xb8;
	[tilespmem:$0x17E80] =	vst v63  }
0x7f: {  	_ =	swait.ge [sflag:s6], $0x4000  }
0x80: {  	[sflag:s6] =	ssyncset.done $0x0  }
0x81: {  	[sflag:s6] =	ssyncadd.s32 $0xFFFFC000  }
0x82: {  	[bflag:$0x0] =	sbarrier.arrive $0xFFFF  }
0x83: {  	s15 =	rddreg [dreg:$0x6]  }
0x84: {  	[tilespmem:s11], [sflag:$0x1] =	stream.linear.gather [hbm4b:s15+s3], $0x50, $0x38;
	[tilespmem:$0x17E80] =	vst v63  }
0x85: {  	_ =	swait.ge [sflag:s6], $0x50  }
0x86: {  	[sflag:s6] =	ssyncset.done $0x0  }
0x87: {  	[sflag:s6] =	ssyncadd.s32 $0xFFFFFFB0  }
0x88: {  	[tilespmem:s5], [sflag:$0x1] =	stream.indirect.gather [spmem:s2], $0x80, s11, s12, $0xb8;
	[tilespmem:$0x17E80] =	vst v63  }
0x89: {  	_ =	swait.ge [sflag:s6], $0x2800  }
0x8a: {  	[sflag:s6] =	ssyncset.done $0x0  }
0x8b: {  	s16 =	rddreg [dreg:$0x13];
	[sflag:s6] =	ssyncadd.s32 $0xFFFFD800  }
0x8c: {  	[hbm4b:s16+s3] =	stream.linear.scatter [tilespmem:s5], [sflag:$0x1], $0x2800, $0x38;
	[tilespmem:$0x17E80] =	vst v63  }
0x8d: {  	_ =	swait.ge [sflag:s6], $0x2800  }
0x8e: {  	[sflag:s6] =	ssyncset.done $0x0  }
0x8f: {  	s17 =	rddreg [dreg:$0x7];
	[sflag:s6] =	ssyncadd.s32 $0xFFFFD800  }
0x90: {  	[tilespmem:s11], [sflag:$0x1] =	stream.linear.gather [hbm4b:s17+s3], $0x50, $0x38;
	[tilespmem:$0x17E80] =	vst v63  }
0x91: {  	_ =	swait.ge [sflag:s6], $0x50  }
0x92: {  	[sflag:s6] =	ssyncset.done $0x0  }
0x93: {  	[sflag:s6] =	ssyncadd.s32 $0xFFFFFFB0  }
0x94: {  	[tilespmem:s5], [sflag:$0x1] =	stream.indirect.gather [spmem:s2], $0x80, s11, s12, $0xb8;
	[tilespmem:$0x17E80] =	vst v63  }
0x95: {  	_ =	swait.ge [sflag:s6], $0x2800  }
0x96: {  	[sflag:s6] =	ssyncset.done $0x0  }
0x97: {  	s18 =	rddreg [dreg:$0x14];
	[sflag:s6] =	ssyncadd.s32 $0xFFFFD800  }
0x98: {  	[hbm4b:s18+s3] =	stream.linear.scatter [tilespmem:s5], [sflag:$0x1], $0x2800, $0x38;
	[tilespmem:$0x17E80] =	vst v63  }
0x99: {  	_ =	swait.ge [sflag:s6], $0x2800  }
0x9a: {  	[sflag:s6] =	ssyncset.done $0x0  }
0x9b: {  	s20 =	rddreg [dreg:$0x8];
	[sflag:s6] =	ssyncadd.s32 $0xFFFFD800  }
0x9c: {  	[tilespmem:s11], [sflag:$0x1] =	stream.linear.gather [hbm4b:s20+s3], $0x50, $0x38;
	[tilespmem:$0x17E80] =	vst v63  }
0x9d: {  	_ =	swait.ge [sflag:s6], $0x50  }
0x9e: {  	[sflag:s6] =	ssyncset.done $0x0  }
0x9f: {  	[sflag:s6] =	ssyncadd.s32 $0xFFFFFFB0  }
0xa0: {  	[tilespmem:s5], [sflag:$0x1] =	stream.indirect.gather [spmem:s2], $0x80, s11, s12, $0xb8;
	[tilespmem:$0x17E80] =	vst v63  }
0xa1: {  	_ =	swait.ge [sflag:s6], $0x2800  }
0xa2: {  	[sflag:s6] =	ssyncset.done $0x0  }
0xa3: {  	[sflag:s6] =	ssyncadd.s32 $0xFFFFD800  }
0xa4: {  	[hbm4b:s22+s3] =	stream.linear.scatter [tilespmem:s5], [sflag:$0x1], $0x2800, $0x38;
	[tilespmem:$0x17E80] =	vst v63  }
0xa5: {  	_ =	swait.ge [sflag:s6], $0x2800  }
0xa6: {  	[sflag:s6] =	ssyncset.done $0x0  }
0xa7: {  	s21 =	rddreg [dreg:$0x9];
	[sflag:s6] =	ssyncadd.s32 $0xFFFFD800  }
0xa8: {  	[tilespmem:s11], [sflag:$0x1] =	stream.linear.gather [hbm4b:s21+s3], $0x50, $0x38;
	[tilespmem:$0x17E80] =	vst v63  }
0xa9: {  	_ =	swait.ge [sflag:s6], $0x50  }
0xaa: {  	[sflag:s6] =	ssyncset.done $0x0  }
0xab: {  	[sflag:s6] =	ssyncadd.s32 $0xFFFFFFB0  }
0xac: {  	[tilespmem:s5], [sflag:$0x1] =	stream.indirect.gather [spmem:s2], $0x80, s11, s12, $0xb8;
	[tilespmem:$0x17E80] =	vst v63  }
0xad: {  	_ =	swait.ge [sflag:s6], $0x2800  }
0xae: {  	[sflag:s6] =	ssyncset.done $0x0  }
0xaf: {  	[sflag:s6] =	ssyncadd.s32 $0xFFFFD800  }
0xb0: {  	[hbm4b:s23+s3] =	stream.linear.scatter [tilespmem:s5], [sflag:$0x1], $0x2800, $0x38;
	[tilespmem:$0x17E80] =	vst v63  }
0xb1: {  	_ =	swait.ge [sflag:s6], $0x2800  }
0xb2: {  	[sflag:s6] =	ssyncset.done $0x0  }
0xb3: {  	s16 =	rddreg [dreg:$0x5];
	[sflag:s6] =	ssyncadd.s32 $0xFFFFD800  }
0xb4: {  	[tilespmem:s13], [sflag:$0x1] =	stream.linear.gather [hbm4b:s16+s3], $0x80, $0x38;
	[tilespmem:$0x17E80] =	vst v63  }
0xb5: {  	_ =	swait.ge [sflag:s6], $0x80  }
0xb6: {  	[sflag:s6] =	ssyncset.done $0x0  }
0xb7: {  	[sflag:s6] =	ssyncadd.s32 $0xFFFFFF80  }
0xb8: {  	[tilespmem:s5], [sflag:$0x1] =	stream.indirect.gather [hbm4b:s0+s10], $0x80, s13, s10, $0xb8;
	[tilespmem:$0x17E80] =	vst v63  }
0xb9: {  	_ =	swait.ge [sflag:s6], $0x4000  }
0xba: {  	[sflag:s6] =	ssyncset.done $0x0  }
0xbb: {  	s17 =	rddreg [dreg:$0xe];
	[sflag:s6] =	ssyncadd.s32 $0xFFFFC000  }
0xbc: {  	[hbm4b:s17+s3] =	stream.linear.scatter [tilespmem:s5], [sflag:$0x1], $0x4000, $0x38;
	[tilespmem:$0x17E80] =	vst v63  }
0xbd: {  	_ =	swait.ge [sflag:s6], $0x4000  }
0xbe: {  	[sflag:s6] =	ssyncset.done $0x0  }
0xbf: {  	s18 =	rddreg [dreg:$0xa];
	[sflag:s6] =	ssyncadd.s32 $0xFFFFC000  }
0xc0: {  	[tilespmem:s13], [sflag:$0x1] =	stream.linear.gather [hbm4b:s18+s3], $0x80, $0x38;
	[tilespmem:$0x17E80] =	vst v63  }
0xc1: {  	_ =	swait.ge [sflag:s6], $0x80  }
0xc2: {  	[sflag:s6] =	ssyncset.done $0x0  }
0xc3: {  	[sflag:s6] =	ssyncadd.s32 $0xFFFFFF80  }
0xc4: {  	[tilespmem:s5], [sflag:$0x1] =	stream.indirect.gather [hbm4b:s0+s10], $0x80, s13, s10, $0xb8;
	[tilespmem:$0x17E80] =	vst v63  }
0xc5: {  	_ =	swait.ge [sflag:s6], $0x4000  }
0xc6: {  	[sflag:s6] =	ssyncset.done $0x0  }
0xc7: {  	s20 =	rddreg [dreg:$0xf];
	[sflag:s6] =	ssyncadd.s32 $0xFFFFC000  }
0xc8: {  	[hbm4b:s20+s3] =	stream.linear.scatter [tilespmem:s5], [sflag:$0x1], $0x4000, $0x38;
	[tilespmem:$0x17E80] =	vst v63  }
0xc9: {  	_ =	swait.ge [sflag:s6], $0x4000  }
0xca: {  	[sflag:s6] =	ssyncset.done $0x0  }
0xcb: {  	s21 =	rddreg [dreg:$0xb];
	[sflag:s6] =	ssyncadd.s32 $0xFFFFC000  }
0xcc: {  	[tilespmem:s13], [sflag:$0x1] =	stream.linear.gather [hbm4b:s21+s3], $0x80, $0x38;
	[tilespmem:$0x17E80] =	vst v63  }
0xcd: {  	_ =	swait.ge [sflag:s6], $0x80  }
0xce: {  	[sflag:s6] =	ssyncset.done $0x0  }
0xcf: {  	[sflag:s6] =	ssyncadd.s32 $0xFFFFFF80  }
0xd0: {  	[tilespmem:s5], [sflag:$0x1] =	stream.indirect.gather [hbm4b:s0+s10], $0x80, s13, s10, $0xb8;
	[tilespmem:$0x17E80] =	vst v63  }
0xd1: {  	_ =	swait.ge [sflag:s6], $0x4000  }
0xd2: {  	[sflag:s6] =	ssyncset.done $0x0  }
0xd3: {  	s16 =	rddreg [dreg:$0x10];
	[sflag:s6] =	ssyncadd.s32 $0xFFFFC000  }
0xd4: {  	[hbm4b:s16+s3] =	stream.linear.scatter [tilespmem:s5], [sflag:$0x1], $0x4000, $0x38;
	[tilespmem:$0x17E80] =	vst v63  }
0xd5: {  	_ =	swait.ge [sflag:s6], $0x4000  }
0xd6: {  	[sflag:s6] =	ssyncset.done $0x0  }
0xd7: {  	s17 =	rddreg [dreg:$0xc];
	[sflag:s6] =	ssyncadd.s32 $0xFFFFC000  }
0xd8: {  	[tilespmem:s13], [sflag:$0x1] =	stream.linear.gather [hbm4b:s17+s3], $0x80, $0x38;
	[tilespmem:$0x17E80] =	vst v63  }
0xd9: {  	_ =	swait.ge [sflag:s6], $0x80  }
0xda: {  	[sflag:s6] =	ssyncset.done $0x0  }
0xdb: {  	[sflag:s6] =	ssyncadd.s32 $0xFFFFFF80  }
0xdc: {  	[tilespmem:s5], [sflag:$0x1] =	stream.indirect.gather [hbm4b:s0+s10], $0x80, s13, s10, $0xb8;
	[tilespmem:$0x17E80] =	vst v63  }
0xdd: {  	_ =	swait.ge [sflag:s6], $0x4000  }
0xde: {  	[sflag:s6] =	ssyncset.done $0x0  }
0xdf: {  	s18 =	rddreg [dreg:$0x11];
	[sflag:s6] =	ssyncadd.s32 $0xFFFFC000  }
0xe0: {  	[hbm4b:s18+s3] =	stream.linear.scatter [tilespmem:s5], [sflag:$0x1], $0x4000, $0x38;
	[tilespmem:$0x17E80] =	vst v63  }
0xe1: {  	_ =	swait.ge [sflag:s6], $0x4000  }
0xe2: {  	[sflag:s6] =	ssyncset.done $0x0  }
0xe3: {  	s20 =	rddreg [dreg:$0xd];
	[sflag:s6] =	ssyncadd.s32 $0xFFFFC000  }
0xe4: {  	[tilespmem:s13], [sflag:$0x1] =	stream.linear.gather [hbm4b:s20+s3], $0x80, $0x38;
	[tilespmem:$0x17E80] =	vst v63  }
0xe5: {  	_ =	swait.ge [sflag:s6], $0x80  }
0xe6: {  	[sflag:s6] =	ssyncset.done $0x0  }
0xe7: {  	[sflag:s6] =	ssyncadd.s32 $0xFFFFFF80  }
0xe8: {  	[tilespmem:s5], [sflag:$0x1] =	stream.indirect.gather [hbm4b:s0+s10], $0x80, s13, s10, $0xb8;
	[tilespmem:$0x17E80] =	vst v63  }
0xe9: {  	s14 =	sadd.s32 $0x1, s14;
	_ =	swait.ge [sflag:s6], $0x4000  }
0xea: {  	p0 =	sne.s32 s14, s29;
	[sflag:s6] =	ssyncset.done $0x0  }
.Ltmp3:
0xeb: {  	s21 =	rddreg [dreg:$0x12];
	[sflag:s6] =	ssyncadd.s32 $0xFFFFC000;
	(pc) =	sbr.rel @p0 .LBB2_1-.Ltmp3, $4  }
0xec: {  	[hbm4b:s21+s3] =	stream.linear.scatter [tilespmem:s5], [sflag:$0x1], $0x4000, $0x38;
	[tilespmem:$0x17E80] =	vst v63  }
0xed: {  	_ =	swait.ge [sflag:s6], $0x4000  }
0xee: {  	[sflag:s6] =	ssyncset.done $0x0  }
0xef: {  	[sflag:s6] =	ssyncadd.s32 $0xFFFFC000  }
0xf0: {  	_ =	sfence.sel $0x180000  }
0xf1: {  	[bflag:$0x0] =	sbarrier.arrive $0xFFFF  }
0xf2: {  	_ =	strace $0x90000047  }
0xf3: {  	s0 =	stileid.u32;
	[bflag:$0x2] =	sbarrier.arrive $0xFFFF  }
0xf4: {  	p0 =	sne.s32 s0, $0x0;
	s0 =	rddreg [dreg:$0x4]  }
0xf5: {  	s0 =	sadd.s32 @!p0 $0x100000, s0  }
0xf6: {  	[sflag:s0] =	ssyncadd.tile.s32 @!p0 $0x1;
	_ =	shalt  }
.Lfunc_end2:
_tile_overlayer_lowered:
.L_overlay_start_2:
0xf7: {  	(tag) =	ssettag $0x2  }
0xf8: {  	s0 =	rddreg [dreg:$0x0];
	s2 =	stileid.u32  }
0xf9: {  	s1 =	rddreg [dreg:$0x1];
	p0 =	sne.s32 s2, $0x0  }
0xfa: {  	s3 =	rddreg [dreg:$0x2];
	[bflag:$0x3] =	sbarrier.arrive $0xFFFF;
	s2 =	simm.s32 @!p0 $0x1C01  }
0xfb: {  	[timem:s3], [sflag:s2] =	dma.local @!p0 [hbm:s0], s1  }
0xfc: {  	s0 =	simm.s32 @!p0 $0x1  }
0xfd: {  	_ =	swait.ge @!p0 [sflag:s0], s1  }
0xfe: {  	s1 =	ssub.s32 @!p0 $0x0, s1;
	[sflag:s0] =	ssyncset.done @!p0 $0x0  }
0xff: {  	[sflag:s0] =	ssyncadd.s32 @!p0 s1  }
0x100: {  	[bflag:$0x3] =	sbarrier.arrive $0xFFFF  }
0x101: {  	_ =	shalt  }

</sc_bundles>
